<compile_context>
chip_gen: v7x
topology: tpu7x:2x2x1
jax: 0.10.2.dev20260603
libtpu: 0.0.44.dev20260713+nightly
codegen_flags: <defaults>
</compile_context>

<pallas_src>
import functools

import jax
import jax.numpy as jnp
from jax import lax
from jax.experimental import pallas as pl
from jax.experimental.pallas import tpu as pltpu
from jax.experimental.pallas import tpu_sc as plsc

N_USERS = 1_000_000
N_ITEMS = 100_000
F = 16
B_U = 16384
B_I = 4096

_NC = 2
_NS = 16
_NW = _NC * _NS

_U_PER_W = B_U // _NW
_I_PER_W = B_I // _NW
_L = 16


def _gather_rows(table_hbm, idx_ref, rows_ref, sem, n_rows):
  def group(g, _):
    vec = idx_ref[pl.ds(g * _L, _L)]
    for l in range(_L):
      r = vec[l]
      pltpu.async_copy(
          table_hbm.at[pl.ds(r, 1)],
          rows_ref.at[pl.ds(g * _L + l, 1)], sem)
    return 0

  lax.fori_loop(0, n_rows // _L, group, 0)


def _drain(table_hbm, rows_ref, sem, n_rows):
  pltpu.make_async_copy(
      table_hbm.at[pl.ds(0, n_rows)], rows_ref, sem).wait()


def _sc_gather(users, items, user_factors, item_factors):
  mesh = plsc.VectorSubcoreMesh(core_axis_name="c", subcore_axis_name="s")

  @functools.partial(
      pl.kernel,
      out_type=[
          jax.ShapeDtypeStruct((B_U, F), jnp.float32),
          jax.ShapeDtypeStruct((B_I, F), jnp.float32),
      ],
      mesh=mesh,
      scratch_types=[
          pltpu.VMEM((_U_PER_W,), jnp.int32),
          pltpu.VMEM((_I_PER_W,), jnp.int32),
          pltpu.VMEM((_U_PER_W, F), jnp.float32),
          pltpu.VMEM((_I_PER_W, F), jnp.float32),
          pltpu.SemaphoreType.DMA,
      ],
      compiler_params=pltpu.CompilerParams(needs_layout_passes=False),
  )
  def k(users_hbm, items_hbm, uf_hbm, if_hbm, u_out, v_out,
        idx_u, idx_i, rows_u, rows_i, sem):
    wid = lax.axis_index("s") * _NC + lax.axis_index("c")
    base_u = wid * _U_PER_W
    base_i = wid * _I_PER_W

    pltpu.sync_copy(users_hbm.at[pl.ds(base_u, _U_PER_W)], idx_u)
    pltpu.sync_copy(items_hbm.at[pl.ds(base_i, _I_PER_W)], idx_i)

    _gather_rows(uf_hbm, idx_u, rows_u, sem, _U_PER_W)
    _gather_rows(if_hbm, idx_i, rows_i, sem, _I_PER_W)
    _drain(uf_hbm, rows_u, sem, _U_PER_W)
    _drain(if_hbm, rows_i, sem, _I_PER_W)

    pltpu.sync_copy(rows_u, u_out.at[pl.ds(base_u, _U_PER_W)])
    pltpu.sync_copy(rows_i, v_out.at[pl.ds(base_i, _I_PER_W)])

  return k(users, items, user_factors, item_factors)


_BU_BLK = 1024


def _mm_body(u_ref, v_ref, o_ref):
  o_ref[...] = lax.dot_general(
      u_ref[...], v_ref[...],
      dimension_numbers=(((1,), (1,)), ((), ())),
      preferred_element_type=jnp.float32)


def _tc_matmul(u, v):
  return pl.pallas_call(
      _mm_body,
      grid=(B_U // _BU_BLK,),
      in_specs=[
          pl.BlockSpec((_BU_BLK, F), lambda i: (i, 0)),
          pl.BlockSpec((B_I, F), lambda i: (0, 0)),
      ],
      out_specs=pl.BlockSpec((_BU_BLK, B_I), lambda i: (i, 0)),
      out_shape=jax.ShapeDtypeStruct((B_U, B_I), jnp.float32),
      compiler_params=pltpu.CompilerParams(
          dimension_semantics=("arbitrary",)),
  )(u, v)


def kernel(users, items, user_factors, item_factors):
  users = users.astype(jnp.int32)
  items = items.astype(jnp.int32)
  u, v = _sc_gather(users, items, user_factors, item_factors)
  return _tc_matmul(u, v)

# --- scband reference (transcript-rebuilt; emitter-appended) ---
"""Pipeline reference for scband-matrix-factorization-1924145349051 (READ-ONLY COPY).

The authoritative reference and input builder live on the scoring server;
editing this copy changes nothing except your own understanding.
"""

import jax, jax.numpy as jnp
import numpy as np

N_USERS = 1000000
N_ITEMS = 100000
N_FACTORS = 16

def setup_inputs(seed: int = 0) -> dict:
    key = jax.random.key(seed)
    k1, k2, k3, k4 = jax.random.split(key, 4)
    users = jax.random.randint(k1, (16384,), 0, N_USERS, dtype=jnp.int64) if jax.config.jax_enable_x64 else jax.random.randint(k1, (16384,), 0, N_USERS, dtype=jnp.int32)
    items = jax.random.randint(k2, (4096,), 0, N_ITEMS, dtype=jnp.int32)
    user_factors = jax.random.normal(k3, (N_USERS, N_FACTORS), dtype=jnp.float32)
    item_factors = jax.random.normal(k4, (N_ITEMS, N_FACTORS), dtype=jnp.float32)
    return {"users": users, "items": items, "user_factors": user_factors, "item_factors": item_factors}

def reference(users, items, user_factors, item_factors):
    # forward: mm(user_factors(users), item_factors(items).T)
    u = jnp.take(user_factors, users, axis=0)  # [B_u, F] embedding gather
    v = jnp.take(item_factors, items, axis=0)  # [B_i, F] embedding gather
    return jnp.matmul(u, v.T)  # [B_u, B_i]

if __name__ == "__main__":
    import jax
    _d = setup_inputs()
    print(jax.jit(kernel)(*tuple(_d.values())))

</pallas_src>

<mosaic_0001>
#map = affine_map<(d0, d1) -> (0)>
#map1 = affine_map<(d0, d1) -> (0, 0)>
module attributes {stable_mosaic.version = 14 : i64} {
  func.func @k(%arg0: i32, %arg1: i32, %arg2: memref<16384xi32, #tpu.memory_space<hbm>>, %arg3: memref<4096xi32, #tpu.memory_space<hbm>>, %arg4: memref<1000000x16xf32, #tpu.memory_space<hbm>>, %arg5: memref<100000x16xf32, #tpu.memory_space<hbm>>, %arg6: memref<16384x16xf32, #tpu.memory_space<hbm>>, %arg7: memref<4096x16xf32, #tpu.memory_space<hbm>>, %arg8: memref<512xi32, #tpu.memory_space<vmem>>, %arg9: memref<128xi32, #tpu.memory_space<vmem>>, %arg10: memref<512x16xf32, #tpu.memory_space<vmem>>, %arg11: memref<128x16xf32, #tpu.memory_space<vmem>>, %arg12: memref<!tpu.dma_semaphore, #tpu.memory_space<semaphore_mem>>) attributes {dimension_semantics = [#tpu.dimension_semantics<core_parallel>, #tpu.dimension_semantics<subcore_parallel>], iteration_bounds = array<i64: 2, 16>, scalar_prefetch = 0 : i64, scratch_operands = 5 : i64, tpu.core_type = #tpu.core_type<sc_vector_subcore>, window_params = [{transform_indices = #map}, {transform_indices = #map}, {transform_indices = #map1}, {transform_indices = #map1}, {transform_indices = #map1}, {transform_indices = #map1}]} {
    %mul3A = arith.constant 2 : i32
    %mul3A_0 = arith.muli %arg1, %mul3A : i32
    %add3A = arith.addi %mul3A_0, %arg0 : i32
    %mul3A_1 = arith.constant 512 : i32
    %mul3A_2 = arith.muli %add3A, %mul3A_1 : i32
    %mul3A_3 = arith.constant 128 : i32
    %mul3A_4 = arith.muli %add3A, %mul3A_3 : i32
    "tpu.region"() ({
      %run_scoped3A = tpu.sem_alloc : memref<!tpu.dma_semaphore, #tpu.memory_space<semaphore_mem>>
      %dma_start3A = tpu.memref_slice %arg2[%mul3A_2] : memref<16384xi32, #tpu.memory_space<hbm>> -> memref<512xi32, #tpu.memory_space<hbm>>
      %dma_start3A_29 = tpu.memref_slice %arg2[%mul3A_2] : memref<16384xi32, #tpu.memory_space<hbm>> -> memref<512xi32, #tpu.memory_space<hbm>>
      tpu.enqueue_dma source(%dma_start3A_29 : memref<512xi32, #tpu.memory_space<hbm>>) target(%arg8 : memref<512xi32, #tpu.memory_space<vmem>>) target_semaphore(%run_scoped3A : memref<!tpu.dma_semaphore, #tpu.memory_space<semaphore_mem>>)
      %dma_wait3A_30 = tpu.memref_slice %arg2[%mul3A_2] : memref<16384xi32, #tpu.memory_space<hbm>> -> memref<512xi32, #tpu.memory_space<hbm>>
      %dma_wait3A_31 = tpu.memref_slice %arg2[%mul3A_2] : memref<16384xi32, #tpu.memory_space<hbm>> -> memref<512xi32, #tpu.memory_space<hbm>>
      tpu.wait_dma2 semaphore(%run_scoped3A : memref<!tpu.dma_semaphore, #tpu.memory_space<semaphore_mem>>) src(%dma_wait3A_31 : memref<512xi32, #tpu.memory_space<hbm>>) dst(%arg8 : memref<512xi32, #tpu.memory_space<vmem>>)
      tpu.yield
    }) : () -> ()
    "tpu.region"() ({
      %run_scoped3A = tpu.sem_alloc : memref<!tpu.dma_semaphore, #tpu.memory_space<semaphore_mem>>
      %dma_start3A = tpu.memref_slice %arg3[%mul3A_4] : memref<4096xi32, #tpu.memory_space<hbm>> -> memref<128xi32, #tpu.memory_space<hbm>>
      %dma_start3A_29 = tpu.memref_slice %arg3[%mul3A_4] : memref<4096xi32, #tpu.memory_space<hbm>> -> memref<128xi32, #tpu.memory_space<hbm>>
      tpu.enqueue_dma source(%dma_start3A_29 : memref<128xi32, #tpu.memory_space<hbm>>) target(%arg9 : memref<128xi32, #tpu.memory_space<vmem>>) target_semaphore(%run_scoped3A : memref<!tpu.dma_semaphore, #tpu.memory_space<semaphore_mem>>)
      %dma_wait3A_30 = tpu.memref_slice %arg3[%mul3A_4] : memref<4096xi32, #tpu.memory_space<hbm>> -> memref<128xi32, #tpu.memory_space<hbm>>
      %dma_wait3A_31 = tpu.memref_slice %arg3[%mul3A_4] : memref<4096xi32, #tpu.memory_space<hbm>> -> memref<128xi32, #tpu.memory_space<hbm>>
      tpu.wait_dma2 semaphore(%run_scoped3A : memref<!tpu.dma_semaphore, #tpu.memory_space<semaphore_mem>>) src(%dma_wait3A_31 : memref<128xi32, #tpu.memory_space<hbm>>) dst(%arg9 : memref<128xi32, #tpu.memory_space<vmem>>)
      tpu.yield
    }) : () -> ()
    %scan3A = arith.constant 0 : i32
    %scan3A_5 = arith.constant 0 : i32
    %scan3A_6 = arith.constant 32 : i32
    %scan3A_7 = arith.addi %scan3A_5, %scan3A_6 : i32
    %scan3A_8 = arith.constant 1 : i32
    %scan3A_9 = scf.for %scan3A_29 = %scan3A_5 to %scan3A_7 step %scan3A_8 iter_args(%scan3A_30 = %scan3A) -> (i32)  : i32 {
      %mul3A_31 = arith.constant 16 : i32
      %mul3A_32 = arith.muli %scan3A_29, %mul3A_31 : i32
      %get3A = arith.index_cast %mul3A_32 : i32 to index
      %get3A_33 = tpu.vector_load %arg8[%get3A] {strides = array<i32>} : memref<512xi32, #tpu.memory_space<vmem>>, vector<16xi32>,
      %slice3A = vector.extract_strided_slice %get3A_33 {offsets = [0], sizes = [1], strides = [1]} : vector<16xi32> to vector<1xi32>
      %squeeze3A = vector.extract %slice3A[0] : i32 from vector<1xi32>
      %mul3A_34 = arith.constant 16 : i32
      %mul3A_35 = arith.muli %scan3A_29, %mul3A_34 : i32
      %add3A_36 = arith.constant 0 : i32
      %add3A_37 = arith.addi %mul3A_35, %add3A_36 : i32
      %dma_start3A = arith.constant 0 : i32
      %dma_start3A_38 = tpu.memref_slice %arg10[%add3A_37, %dma_start3A] : memref<512x16xf32, #tpu.memory_space<vmem>> -> memref<1x16xf32, #tpu.memory_space<vmem>>
      %dma_start3A_39 = arith.constant 0 : i32
      %dma_start3A_40 = tpu.memref_slice %arg4[%squeeze3A, %dma_start3A_39] : memref<1000000x16xf32, #tpu.memory_space<hbm>> -> memref<1x16xf32, #tpu.memory_space<hbm>>
      %dma_start3A_41 = arith.constant 0 : i32
      %dma_start3A_42 = tpu.memref_slice %arg10[%add3A_37, %dma_start3A_41] : memref<512x16xf32, #tpu.memory_space<vmem>> -> memref<1x16xf32, #tpu.memory_space<vmem>>
      %dma_start3A_43 = arith.constant 0 : i32
      %dma_start3A_44 = tpu.memref_slice %arg4[%squeeze3A, %dma_start3A_43] : memref<1000000x16xf32, #tpu.memory_space<hbm>> -> memref<1x16xf32, #tpu.memory_space<hbm>>
      tpu.enqueue_dma source(%dma_start3A_44 : memref<1x16xf32, #tpu.memory_space<hbm>>) target(%dma_start3A_42 : memref<1x16xf32, #tpu.memory_space<vmem>>) target_semaphore(%arg12 : memref<!tpu.dma_semaphore, #tpu.memory_space<semaphore_mem>>)
      %slice3A_45 = vector.extract_strided_slice %get3A_33 {offsets = [1], sizes = [1], strides = [1]} : vector<16xi32> to vector<1xi32>
      %squeeze3A_46 = vector.extract %slice3A_45[0] : i32 from vector<1xi32>
      %mul3A_47 = arith.constant 16 : i32
      %mul3A_48 = arith.muli %scan3A_29, %mul3A_47 : i32
      %add3A_49 = arith.constant 1 : i32
      %add3A_50 = arith.addi %mul3A_48, %add3A_49 : i32
      %dma_start3A_51 = arith.constant 0 : i32
      %dma_start3A_52 = tpu.memref_slice %arg10[%add3A_50, %dma_start3A_51] : memref<512x16xf32, #tpu.memory_space<vmem>> -> memref<1x16xf32, #tpu.memory_space<vmem>>
      %dma_start3A_53 = arith.constant 0 : i32
      %dma_start3A_54 = tpu.memref_slice %arg4[%squeeze3A_46, %dma_start3A_53] : memref<1000000x16xf32, #tpu.memory_space<hbm>> -> memref<1x16xf32, #tpu.memory_space<hbm>>
      %dma_start3A_55 = arith.constant 0 : i32
      %dma_start3A_56 = tpu.memref_slice %arg10[%add3A_50, %dma_start3A_55] : memref<512x16xf32, #tpu.memory_space<vmem>> -> memref<1x16xf32, #tpu.memory_space<vmem>>
      %dma_start3A_57 = arith.constant 0 : i32
      %dma_start3A_58 = tpu.memref_slice %arg4[%squeeze3A_46, %dma_start3A_57] : memref<1000000x16xf32, #tpu.memory_space<hbm>> -> memref<1x16xf32, #tpu.memory_space<hbm>>
      tpu.enqueue_dma source(%dma_start3A_58 : memref<1x16xf32, #tpu.memory_space<hbm>>) target(%dma_start3A_56 : memref<1x16xf32, #tpu.memory_space<vmem>>) target_semaphore(%arg12 : memref<!tpu.dma_semaphore, #tpu.memory_space<semaphore_mem>>)
      %slice3A_59 = vector.extract_strided_slice %get3A_33 {offsets = [2], sizes = [1], strides = [1]} : vector<16xi32> to vector<1xi32>
      %squeeze3A_60 = vector.extract %slice3A_59[0] : i32 from vector<1xi32>
      %mul3A_61 = arith.constant 16 : i32
      %mul3A_62 = arith.muli %scan3A_29, %mul3A_61 : i32
      %add3A_63 = arith.constant 2 : i32
      %add3A_64 = arith.addi %mul3A_62, %add3A_63 : i32
      %dma_start3A_65 = arith.constant 0 : i32
      %dma_start3A_66 = tpu.memref_slice %arg10[%add3A_64, %dma_start3A_65] : memref<512x16xf32, #tpu.memory_space<vmem>> -> memref<1x16xf32, #tpu.memory_space<vmem>>
      %dma_start3A_67 = arith.constant 0 : i32
      %dma_start3A_68 = tpu.memref_slice %arg4[%squeeze3A_60, %dma_start3A_67] : memref<1000000x16xf32, #tpu.memory_space<hbm>> -> memref<1x16xf32, #tpu.memory_space<hbm>>
      %dma_start3A_69 = arith.constant 0 : i32
      %dma_start3A_70 = tpu.memref_slice %arg10[%add3A_64, %dma_start3A_69] : memref<512x16xf32, #tpu.memory_space<vmem>> -> memref<1x16xf32, #tpu.memory_space<vmem>>
      %dma_start3A_71 = arith.constant 0 : i32
      %dma_start3A_72 = tpu.memref_slice %arg4[%squeeze3A_60, %dma_start3A_71] : memref<1000000x16xf32, #tpu.memory_space<hbm>> -> memref<1x16xf32, #tpu.memory_space<hbm>>
      tpu.enqueue_dma source(%dma_start3A_72 : memref<1x16xf32, #tpu.memory_space<hbm>>) target(%dma_start3A_70 : memref<1x16xf32, #tpu.memory_space<vmem>>) target_semaphore(%arg12 : memref<!tpu.dma_semaphore, #tpu.memory_space<semaphore_mem>>)
      %slice3A_73 = vector.extract_strided_slice %get3A_33 {offsets = [3], sizes = [1], strides = [1]} : vector<16xi32> to vector<1xi32>
      %squeeze3A_74 = vector.extract %slice3A_73[0] : i32 from vector<1xi32>
      %mul3A_75 = arith.constant 16 : i32
      %mul3A_76 = arith.muli %scan3A_29, %mul3A_75 : i32
      %add3A_77 = arith.constant 3 : i32
      %add3A_78 = arith.addi %mul3A_76, %add3A_77 : i32
      %dma_start3A_79 = arith.constant 0 : i32
      %dma_start3A_80 = tpu.memref_slice %arg10[%add3A_78, %dma_start3A_79] : memref<512x16xf32, #tpu.memory_space<vmem>> -> memref<1x16xf32, #tpu.memory_space<vmem>>
      %dma_start3A_81 = arith.constant 0 : i32
      %dma_start3A_82 = tpu.memref_slice %arg4[%squeeze3A_74, %dma_start3A_81] : memref<1000000x16xf32, #tpu.memory_space<hbm>> -> memref<1x16xf32, #tpu.memory_space<hbm>>
      %dma_start3A_83 = arith.constant 0 : i32
      %dma_start3A_84 = tpu.memref_slice %arg10[%add3A_78, %dma_start3A_83] : memref<512x16xf32, #tpu.memory_space<vmem>> -> memref<1x16xf32, #tpu.memory_space<vmem>>
      %dma_start3A_85 = arith.constant 0 : i32
      %dma_start3A_86 = tpu.memref_slice %arg4[%squeeze3A_74, %dma_start3A_85] : memref<1000000x16xf32, #tpu.memory_space<hbm>> -> memref<1x16xf32, #tpu.memory_space<hbm>>
      tpu.enqueue_dma source(%dma_start3A_86 : memref<1x16xf32, #tpu.memory_space<hbm>>) target(%dma_start3A_84 : memref<1x16xf32, #tpu.memory_space<vmem>>) target_semaphore(%arg12 : memref<!tpu.dma_semaphore, #tpu.memory_space<semaphore_mem>>)
      %slice3A_87 = vector.extract_strided_slice %get3A_33 {offsets = [4], sizes = [1], strides = [1]} : vector<16xi32> to vector<1xi32>
      %squeeze3A_88 = vector.extract %slice3A_87[0] : i32 from vector<1xi32>
      %mul3A_89 = arith.constant 16 : i32
      %mul3A_90 = arith.muli %scan3A_29, %mul3A_89 : i32
      %add3A_91 = arith.constant 4 : i32
      %add3A_92 = arith.addi %mul3A_90, %add3A_91 : i32
      %dma_start3A_93 = arith.constant 0 : i32
      %dma_start3A_94 = tpu.memref_slice %arg10[%add3A_92, %dma_start3A_93] : memref<512x16xf32, #tpu.memory_space<vmem>> -> memref<1x16xf32, #tpu.memory_space<vmem>>
      %dma_start3A_95 = arith.constant 0 : i32
      %dma_start3A_96 = tpu.memref_slice %arg4[%squeeze3A_88, %dma_start3A_95] : memref<1000000x16xf32, #tpu.memory_space<hbm>> -> memref<1x16xf32, #tpu.memory_space<hbm>>
      %dma_start3A_97 = arith.constant 0 : i32
      %dma_start3A_98 = tpu.memref_slice %arg10[%add3A_92, %dma_start3A_97] : memref<512x16xf32, #tpu.memory_space<vmem>> -> memref<1x16xf32, #tpu.memory_space<vmem>>
      %dma_start3A_99 = arith.constant 0 : i32
      %dma_start3A_100 = tpu.memref_slice %arg4[%squeeze3A_88, %dma_start3A_99] : memref<1000000x16xf32, #tpu.memory_space<hbm>> -> memref<1x16xf32, #tpu.memory_space<hbm>>
      tpu.enqueue_dma source(%dma_start3A_100 : memref<1x16xf32, #tpu.memory_space<hbm>>) target(%dma_start3A_98 : memref<1x16xf32, #tpu.memory_space<vmem>>) target_semaphore(%arg12 : memref<!tpu.dma_semaphore, #tpu.memory_space<semaphore_mem>>)
      %slice3A_101 = vector.extract_strided_slice %get3A_33 {offsets = [5], sizes = [1], strides = [1]} : vector<16xi32> to vector<1xi32>
      %squeeze3A_102 = vector.extract %slice3A_101[0] : i32 from vector<1xi32>
      %mul3A_103 = arith.constant 16 : i32
      %mul3A_104 = arith.muli %scan3A_29, %mul3A_103 : i32
      %add3A_105 = arith.constant 5 : i32
      %add3A_106 = arith.addi %mul3A_104, %add3A_105 : i32
      %dma_start3A_107 = arith.constant 0 : i32
      %dma_start3A_108 = tpu.memref_slice %arg10[%add3A_106, %dma_start3A_107] : memref<512x16xf32, #tpu.memory_space<vmem>> -> memref<1x16xf32, #tpu.memory_space<vmem>>
      %dma_start3A_109 = arith.constant 0 : i32
      %dma_start3A_110 = tpu.memref_slice %arg4[%squeeze3A_102, %dma_start3A_109] : memref<1000000x16xf32, #tpu.memory_space<hbm>> -> memref<1x16xf32, #tpu.memory_space<hbm>>
      %dma_start3A_111 = arith.constant 0 : i32
      %dma_start3A_112 = tpu.memref_slice %arg10[%add3A_106, %dma_start3A_111] : memref<512x16xf32, #tpu.memory_space<vmem>> -> memref<1x16xf32, #tpu.memory_space<vmem>>
      %dma_start3A_113 = arith.constant 0 : i32
      %dma_start3A_114 = tpu.memref_slice %arg4[%squeeze3A_102, %dma_start3A_113] : memref<1000000x16xf32, #tpu.memory_space<hbm>> -> memref<1x16xf32, #tpu.memory_space<hbm>>
      tpu.enqueue_dma source(%dma_start3A_114 : memref<1x16xf32, #tpu.memory_space<hbm>>) target(%dma_start3A_112 : memref<1x16xf32, #tpu.memory_space<vmem>>) target_semaphore(%arg12 : memref<!tpu.dma_semaphore, #tpu.memory_space<semaphore_mem>>)
      %slice3A_115 = vector.extract_strided_slice %get3A_33 {offsets = [6], sizes = [1], strides = [1]} : vector<16xi32> to vector<1xi32>
      %squeeze3A_116 = vector.extract %slice3A_115[0] : i32 from vector<1xi32>
      %mul3A_117 = arith.constant 16 : i32
      %mul3A_118 = arith.muli %scan3A_29, %mul3A_117 : i32
      %add3A_119 = arith.constant 6 : i32
      %add3A_120 = arith.addi %mul3A_118, %add3A_119 : i32
      %dma_start3A_121 = arith.constant 0 : i32
      %dma_start3A_122 = tpu.memref_slice %arg10[%add3A_120, %dma_start3A_121] : memref<512x16xf32, #tpu.memory_space<vmem>> -> memref<1x16xf32, #tpu.memory_space<vmem>>
      %dma_start3A_123 = arith.constant 0 : i32
      %dma_start3A_124 = tpu.memref_slice %arg4[%squeeze3A_116, %dma_start3A_123] : memref<1000000x16xf32, #tpu.memory_space<hbm>> -> memref<1x16xf32, #tpu.memory_space<hbm>>
      %dma_start3A_125 = arith.constant 0 : i32
      %dma_start3A_126 = tpu.memref_slice %arg10[%add3A_120, %dma_start3A_125] : memref<512x16xf32, #tpu.memory_space<vmem>> -> memref<1x16xf32, #tpu.memory_space<vmem>>
      %dma_start3A_127 = arith.constant 0 : i32
      %dma_start3A_128 = tpu.memref_slice %arg4[%squeeze3A_116, %dma_start3A_127] : memref<1000000x16xf32, #tpu.memory_space<hbm>> -> memref<1x16xf32, #tpu.memory_space<hbm>>
      tpu.enqueue_dma source(%dma_start3A_128 : memref<1x16xf32, #tpu.memory_space<hbm>>) target(%dma_start3A_126 : memref<1x16xf32, #tpu.memory_space<vmem>>) target_semaphore(%arg12 : memref<!tpu.dma_semaphore, #tpu.memory_space<semaphore_mem>>)
      %slice3A_129 = vector.extract_strided_slice %get3A_33 {offsets = [7], sizes = [1], strides = [1]} : vector<16xi32> to vector<1xi32>
      %squeeze3A_130 = vector.extract %slice3A_129[0] : i32 from vector<1xi32>
      %mul3A_131 = arith.constant 16 : i32
      %mul3A_132 = arith.muli %scan3A_29, %mul3A_131 : i32
      %add3A_133 = arith.constant 7 : i32
      %add3A_134 = arith.addi %mul3A_132, %add3A_133 : i32
      %dma_start3A_135 = arith.constant 0 : i32
      %dma_start3A_136 = tpu.memref_slice %arg10[%add3A_134, %dma_start3A_135] : memref<512x16xf32, #tpu.memory_space<vmem>> -> memref<1x16xf32, #tpu.memory_space<vmem>>
      %dma_start3A_137 = arith.constant 0 : i32
      %dma_start3A_138 = tpu.memref_slice %arg4[%squeeze3A_130, %dma_start3A_137] : memref<1000000x16xf32, #tpu.memory_space<hbm>> -> memref<1x16xf32, #tpu.memory_space<hbm>>
      %dma_start3A_139 = arith.constant 0 : i32
      %dma_start3A_140 = tpu.memref_slice %arg10[%add3A_134, %dma_start3A_139] : memref<512x16xf32, #tpu.memory_space<vmem>> -> memref<1x16xf32, #tpu.memory_space<vmem>>
      %dma_start3A_141 = arith.constant 0 : i32
      %dma_start3A_142 = tpu.memref_slice %arg4[%squeeze3A_130, %dma_start3A_141] : memref<1000000x16xf32, #tpu.memory_space<hbm>> -> memref<1x16xf32, #tpu.memory_space<hbm>>
      tpu.enqueue_dma source(%dma_start3A_142 : memref<1x16xf32, #tpu.memory_space<hbm>>) target(%dma_start3A_140 : memref<1x16xf32, #tpu.memory_space<vmem>>) target_semaphore(%arg12 : memref<!tpu.dma_semaphore, #tpu.memory_space<semaphore_mem>>)
      %slice3A_143 = vector.extract_strided_slice %get3A_33 {offsets = [8], sizes = [1], strides = [1]} : vector<16xi32> to vector<1xi32>
      %squeeze3A_144 = vector.extract %slice3A_143[0] : i32 from vector<1xi32>
      %mul3A_145 = arith.constant 16 : i32
      %mul3A_146 = arith.muli %scan3A_29, %mul3A_145 : i32
      %add3A_147 = arith.constant 8 : i32
      %add3A_148 = arith.addi %mul3A_146, %add3A_147 : i32
      %dma_start3A_149 = arith.constant 0 : i32
      %dma_start3A_150 = tpu.memref_slice %arg10[%add3A_148, %dma_start3A_149] : memref<512x16xf32, #tpu.memory_space<vmem>> -> memref<1x16xf32, #tpu.memory_space<vmem>>
      %dma_start3A_151 = arith.constant 0 : i32
      %dma_start3A_152 = tpu.memref_slice %arg4[%squeeze3A_144, %dma_start3A_151] : memref<1000000x16xf32, #tpu.memory_space<hbm>> -> memref<1x16xf32, #tpu.memory_space<hbm>>
      %dma_start3A_153 = arith.constant 0 : i32
      %dma_start3A_154 = tpu.memref_slice %arg10[%add3A_148, %dma_start3A_153] : memref<512x16xf32, #tpu.memory_space<vmem>> -> memref<1x16xf32, #tpu.memory_space<vmem>>
      %dma_start3A_155 = arith.constant 0 : i32
      %dma_start3A_156 = tpu.memref_slice %arg4[%squeeze3A_144, %dma_start3A_155] : memref<1000000x16xf32, #tpu.memory_space<hbm>> -> memref<1x16xf32, #tpu.memory_space<hbm>>
      tpu.enqueue_dma source(%dma_start3A_156 : memref<1x16xf32, #tpu.memory_space<hbm>>) target(%dma_start3A_154 : memref<1x16xf32, #tpu.memory_space<vmem>>) target_semaphore(%arg12 : memref<!tpu.dma_semaphore, #tpu.memory_space<semaphore_mem>>)
      %slice3A_157 = vector.extract_strided_slice %get3A_33 {offsets = [9], sizes = [1], strides = [1]} : vector<16xi32> to vector<1xi32>
      %squeeze3A_158 = vector.extract %slice3A_157[0] : i32 from vector<1xi32>
      %mul3A_159 = arith.constant 16 : i32
      %mul3A_160 = arith.muli %scan3A_29, %mul3A_159 : i32
      %add3A_161 = arith.constant 9 : i32
      %add3A_162 = arith.addi %mul3A_160, %add3A_161 : i32
      %dma_start3A_163 = arith.constant 0 : i32
      %dma_start3A_164 = tpu.memref_slice %arg10[%add3A_162, %dma_start3A_163] : memref<512x16xf32, #tpu.memory_space<vmem>> -> memref<1x16xf32, #tpu.memory_space<vmem>>
      %dma_start3A_165 = arith.constant 0 : i32
      %dma_start3A_166 = tpu.memref_slice %arg4[%squeeze3A_158, %dma_start3A_165] : memref<1000000x16xf32, #tpu.memory_space<hbm>> -> memref<1x16xf32, #tpu.memory_space<hbm>>
      %dma_start3A_167 = arith.constant 0 : i32
      %dma_start3A_168 = tpu.memref_slice %arg10[%add3A_162, %dma_start3A_167] : memref<512x16xf32, #tpu.memory_space<vmem>> -> memref<1x16xf32, #tpu.memory_space<vmem>>
      %dma_start3A_169 = arith.constant 0 : i32
      %dma_start3A_170 = tpu.memref_slice %arg4[%squeeze3A_158, %dma_start3A_169] : memref<1000000x16xf32, #tpu.memory_space<hbm>> -> memref<1x16xf32, #tpu.memory_space<hbm>>
      tpu.enqueue_dma source(%dma_start3A_170 : memref<1x16xf32, #tpu.memory_space<hbm>>) target(%dma_start3A_168 : memref<1x16xf32, #tpu.memory_space<vmem>>) target_semaphore(%arg12 : memref<!tpu.dma_semaphore, #tpu.memory_space<semaphore_mem>>)
      %slice3A_171 = vector.extract_strided_slice %get3A_33 {offsets = [10], sizes = [1], strides = [1]} : vector<16xi32> to vector<1xi32>
      %squeeze3A_172 = vector.extract %slice3A_171[0] : i32 from vector<1xi32>
      %mul3A_173 = arith.constant 16 : i32
      %mul3A_174 = arith.muli %scan3A_29, %mul3A_173 : i32
      %add3A_175 = arith.constant 10 : i32
      %add3A_176 = arith.addi %mul3A_174, %add3A_175 : i32
      %dma_start3A_177 = arith.constant 0 : i32
      %dma_start3A_178 = tpu.memref_slice %arg10[%add3A_176, %dma_start3A_177] : memref<512x16xf32, #tpu.memory_space<vmem>> -> memref<1x16xf32, #tpu.memory_space<vmem>>
      %dma_start3A_179 = arith.constant 0 : i32
      %dma_start3A_180 = tpu.memref_slice %arg4[%squeeze3A_172, %dma_start3A_179] : memref<1000000x16xf32, #tpu.memory_space<hbm>> -> memref<1x16xf32, #tpu.memory_space<hbm>>
      %dma_start3A_181 = arith.constant 0 : i32
      %dma_start3A_182 = tpu.memref_slice %arg10[%add3A_176, %dma_start3A_181] : memref<512x16xf32, #tpu.memory_space<vmem>> -> memref<1x16xf32, #tpu.memory_space<vmem>>
      %dma_start3A_183 = arith.constant 0 : i32
      %dma_start3A_184 = tpu.memref_slice %arg4[%squeeze3A_172, %dma_start3A_183] : memref<1000000x16xf32, #tpu.memory_space<hbm>> -> memref<1x16xf32, #tpu.memory_space<hbm>>
      tpu.enqueue_dma source(%dma_start3A_184 : memref<1x16xf32, #tpu.memory_space<hbm>>) target(%dma_start3A_182 : memref<1x16xf32, #tpu.memory_space<vmem>>) target_semaphore(%arg12 : memref<!tpu.dma_semaphore, #tpu.memory_space<semaphore_mem>>)
      %slice3A_185 = vector.extract_strided_slice %get3A_33 {offsets = [11], sizes = [1], strides = [1]} : vector<16xi32> to vector<1xi32>
      %squeeze3A_186 = vector.extract %slice3A_185[0] : i32 from vector<1xi32>
      %mul3A_187 = arith.constant 16 : i32
      %mul3A_188 = arith.muli %scan3A_29, %mul3A_187 : i32
      %add3A_189 = arith.constant 11 : i32
      %add3A_190 = arith.addi %mul3A_188, %add3A_189 : i32
      %dma_start3A_191 = arith.constant 0 : i32
      %dma_start3A_192 = tpu.memref_slice %arg10[%add3A_190, %dma_start3A_191] : memref<512x16xf32, #tpu.memory_space<vmem>> -> memref<1x16xf32, #tpu.memory_space<vmem>>
      %dma_start3A_193 = arith.constant 0 : i32
      %dma_start3A_194 = tpu.memref_slice %arg4[%squeeze3A_186, %dma_start3A_193] : memref<1000000x16xf32, #tpu.memory_space<hbm>> -> memref<1x16xf32, #tpu.memory_space<hbm>>
      %dma_start3A_195 = arith.constant 0 : i32
      %dma_start3A_196 = tpu.memref_slice %arg10[%add3A_190, %dma_start3A_195] : memref<512x16xf32, #tpu.memory_space<vmem>> -> memref<1x16xf32, #tpu.memory_space<vmem>>
      %dma_start3A_197 = arith.constant 0 : i32
      %dma_start3A_198 = tpu.memref_slice %arg4[%squeeze3A_186, %dma_start3A_197] : memref<1000000x16xf32, #tpu.memory_space<hbm>> -> memref<1x16xf32, #tpu.memory_space<hbm>>
      tpu.enqueue_dma source(%dma_start3A_198 : memref<1x16xf32, #tpu.memory_space<hbm>>) target(%dma_start3A_196 : memref<1x16xf32, #tpu.memory_space<vmem>>) target_semaphore(%arg12 : memref<!tpu.dma_semaphore, #tpu.memory_space<semaphore_mem>>)
      %slice3A_199 = vector.extract_strided_slice %get3A_33 {offsets = [12], sizes = [1], strides = [1]} : vector<16xi32> to vector<1xi32>
      %squeeze3A_200 = vector.extract %slice3A_199[0] : i32 from vector<1xi32>
      %mul3A_201 = arith.constant 16 : i32
      %mul3A_202 = arith.muli %scan3A_29, %mul3A_201 : i32
      %add3A_203 = arith.constant 12 : i32
      %add3A_204 = arith.addi %mul3A_202, %add3A_203 : i32
      %dma_start3A_205 = arith.constant 0 : i32
      %dma_start3A_206 = tpu.memref_slice %arg10[%add3A_204, %dma_start3A_205] : memref<512x16xf32, #tpu.memory_space<vmem>> -> memref<1x16xf32, #tpu.memory_space<vmem>>
      %dma_start3A_207 = arith.constant 0 : i32
      %dma_start3A_208 = tpu.memref_slice %arg4[%squeeze3A_200, %dma_start3A_207] : memref<1000000x16xf32, #tpu.memory_space<hbm>> -> memref<1x16xf32, #tpu.memory_space<hbm>>
      %dma_start3A_209 = arith.constant 0 : i32
      %dma_start3A_210 = tpu.memref_slice %arg10[%add3A_204, %dma_start3A_209] : memref<512x16xf32, #tpu.memory_space<vmem>> -> memref<1x16xf32, #tpu.memory_space<vmem>>
      %dma_start3A_211 = arith.constant 0 : i32
      %dma_start3A_212 = tpu.memref_slice %arg4[%squeeze3A_200, %dma_start3A_211] : memref<1000000x16xf32, #tpu.memory_space<hbm>> -> memref<1x16xf32, #tpu.memory_space<hbm>>
      tpu.enqueue_dma source(%dma_start3A_212 : memref<1x16xf32, #tpu.memory_space<hbm>>) target(%dma_start3A_210 : memref<1x16xf32, #tpu.memory_space<vmem>>) target_semaphore(%arg12 : memref<!tpu.dma_semaphore, #tpu.memory_space<semaphore_mem>>)
      %slice3A_213 = vector.extract_strided_slice %get3A_33 {offsets = [13], sizes = [1], strides = [1]} : vector<16xi32> to vector<1xi32>
      %squeeze3A_214 = vector.extract %slice3A_213[0] : i32 from vector<1xi32>
      %mul3A_215 = arith.constant 16 : i32
      %mul3A_216 = arith.muli %scan3A_29, %mul3A_215 : i32
      %add3A_217 = arith.constant 13 : i32
      %add3A_218 = arith.addi %mul3A_216, %add3A_217 : i32
      %dma_start3A_219 = arith.constant 0 : i32
      %dma_start3A_220 = tpu.memref_slice %arg10[%add3A_218, %dma_start3A_219] : memref<512x16xf32, #tpu.memory_space<vmem>> -> memref<1x16xf32, #tpu.memory_space<vmem>>
      %dma_start3A_221 = arith.constant 0 : i32
      %dma_start3A_222 = tpu.memref_slice %arg4[%squeeze3A_214, %dma_start3A_221] : memref<1000000x16xf32, #tpu.memory_space<hbm>> -> memref<1x16xf32, #tpu.memory_space<hbm>>
      %dma_start3A_223 = arith.constant 0 : i32
      %dma_start3A_224 = tpu.memref_slice %arg10[%add3A_218, %dma_start3A_223] : memref<512x16xf32, #tpu.memory_space<vmem>> -> memref<1x16xf32, #tpu.memory_space<vmem>>
      %dma_start3A_225 = arith.constant 0 : i32
      %dma_start3A_226 = tpu.memref_slice %arg4[%squeeze3A_214, %dma_start3A_225] : memref<1000000x16xf32, #tpu.memory_space<hbm>> -> memref<1x16xf32, #tpu.memory_space<hbm>>
      tpu.enqueue_dma source(%dma_start3A_226 : memref<1x16xf32, #tpu.memory_space<hbm>>) target(%dma_start3A_224 : memref<1x16xf32, #tpu.memory_space<vmem>>) target_semaphore(%arg12 : memref<!tpu.dma_semaphore, #tpu.memory_space<semaphore_mem>>)
      %slice3A_227 = vector.extract_strided_slice %get3A_33 {offsets = [14], sizes = [1], strides = [1]} : vector<16xi32> to vector<1xi32>
      %squeeze3A_228 = vector.extract %slice3A_227[0] : i32 from vector<1xi32>
      %mul3A_229 = arith.constant 16 : i32
      %mul3A_230 = arith.muli %scan3A_29, %mul3A_229 : i32
      %add3A_231 = arith.constant 14 : i32
      %add3A_232 = arith.addi %mul3A_230, %add3A_231 : i32
      %dma_start3A_233 = arith.constant 0 : i32
      %dma_start3A_234 = tpu.memref_slice %arg10[%add3A_232, %dma_start3A_233] : memref<512x16xf32, #tpu.memory_space<vmem>> -> memref<1x16xf32, #tpu.memory_space<vmem>>
      %dma_start3A_235 = arith.constant 0 : i32
      %dma_start3A_236 = tpu.memref_slice %arg4[%squeeze3A_228, %dma_start3A_235] : memref<1000000x16xf32, #tpu.memory_space<hbm>> -> memref<1x16xf32, #tpu.memory_space<hbm>>
      %dma_start3A_237 = arith.constant 0 : i32
      %dma_start3A_238 = tpu.memref_slice %arg10[%add3A_232, %dma_start3A_237] : memref<512x16xf32, #tpu.memory_space<vmem>> -> memref<1x16xf32, #tpu.memory_space<vmem>>
      %dma_start3A_239 = arith.constant 0 : i32
      %dma_start3A_240 = tpu.memref_slice %arg4[%squeeze3A_228, %dma_start3A_239] : memref<1000000x16xf32, #tpu.memory_space<hbm>> -> memref<1x16xf32, #tpu.memory_space<hbm>>
      tpu.enqueue_dma source(%dma_start3A_240 : memref<1x16xf32, #tpu.memory_space<hbm>>) target(%dma_start3A_238 : memref<1x16xf32, #tpu.memory_space<vmem>>) target_semaphore(%arg12 : memref<!tpu.dma_semaphore, #tpu.memory_space<semaphore_mem>>)
      %slice3A_241 = vector.extract_strided_slice %get3A_33 {offsets = [15], sizes = [1], strides = [1]} : vector<16xi32> to vector<1xi32>
      %squeeze3A_242 = vector.extract %slice3A_241[0] : i32 from vector<1xi32>
      %mul3A_243 = arith.constant 16 : i32
      %mul3A_244 = arith.muli %scan3A_29, %mul3A_243 : i32
      %add3A_245 = arith.constant 15 : i32
      %add3A_246 = arith.addi %mul3A_244, %add3A_245 : i32
      %dma_start3A_247 = arith.constant 0 : i32
      %dma_start3A_248 = tpu.memref_slice %arg10[%add3A_246, %dma_start3A_247] : memref<512x16xf32, #tpu.memory_space<vmem>> -> memref<1x16xf32, #tpu.memory_space<vmem>>
      %dma_start3A_249 = arith.constant 0 : i32
      %dma_start3A_250 = tpu.memref_slice %arg4[%squeeze3A_242, %dma_start3A_249] : memref<1000000x16xf32, #tpu.memory_space<hbm>> -> memref<1x16xf32, #tpu.memory_space<hbm>>
      %dma_start3A_251 = arith.constant 0 : i32
      %dma_start3A_252 = tpu.memref_slice %arg10[%add3A_246, %dma_start3A_251] : memref<512x16xf32, #tpu.memory_space<vmem>> -> memref<1x16xf32, #tpu.memory_space<vmem>>
      %dma_start3A_253 = arith.constant 0 : i32
      %dma_start3A_254 = tpu.memref_slice %arg4[%squeeze3A_242, %dma_start3A_253] : memref<1000000x16xf32, #tpu.memory_space<hbm>> -> memref<1x16xf32, #tpu.memory_space<hbm>>
      tpu.enqueue_dma source(%dma_start3A_254 : memref<1x16xf32, #tpu.memory_space<hbm>>) target(%dma_start3A_252 : memref<1x16xf32, #tpu.memory_space<vmem>>) target_semaphore(%arg12 : memref<!tpu.dma_semaphore, #tpu.memory_space<semaphore_mem>>)
      %scan3A_255 = arith.constant 0 : i32
      scf.yield %scan3A_255 : i32
    }
    %scan3A_10 = arith.constant 32 : i32
    %scan3A_11 = arith.constant 0 : i32
    %scan3A_12 = arith.constant 0 : i32
    %scan3A_13 = arith.constant 8 : i32
    %scan3A_14 = arith.addi %scan3A_12, %scan3A_13 : i32
    %scan3A_15 = arith.constant 1 : i32
    %scan3A_16 = scf.for %scan3A_29 = %scan3A_12 to %scan3A_14 step %scan3A_15 iter_args(%scan3A_30 = %scan3A_11) -> (i32)  : i32 {
      %mul3A_31 = arith.constant 16 : i32
      %mul3A_32 = arith.muli %scan3A_29, %mul3A_31 : i32
      %get3A = arith.index_cast %mul3A_32 : i32 to index
      %get3A_33 = tpu.vector_load %arg9[%get3A] {strides = array<i32>} : memref<128xi32, #tpu.memory_space<vmem>>, vector<16xi32>,
      %slice3A = vector.extract_strided_slice %get3A_33 {offsets = [0], sizes = [1], strides = [1]} : vector<16xi32> to vector<1xi32>
      %squeeze3A = vector.extract %slice3A[0] : i32 from vector<1xi32>
      %mul3A_34 = arith.constant 16 : i32
      %mul3A_35 = arith.muli %scan3A_29, %mul3A_34 : i32
      %add3A_36 = arith.constant 0 : i32
      %add3A_37 = arith.addi %mul3A_35, %add3A_36 : i32
      %dma_start3A = arith.constant 0 : i32
      %dma_start3A_38 = tpu.memref_slice %arg11[%add3A_37, %dma_start3A] : memref<128x16xf32, #tpu.memory_space<vmem>> -> memref<1x16xf32, #tpu.memory_space<vmem>>
      %dma_start3A_39 = arith.constant 0 : i32
      %dma_start3A_40 = tpu.memref_slice %arg5[%squeeze3A, %dma_start3A_39] : memref<100000x16xf32, #tpu.memory_space<hbm>> -> memref<1x16xf32, #tpu.memory_space<hbm>>
      %dma_start3A_41 = arith.constant 0 : i32
      %dma_start3A_42 = tpu.memref_slice %arg11[%add3A_37, %dma_start3A_41] : memref<128x16xf32, #tpu.memory_space<vmem>> -> memref<1x16xf32, #tpu.memory_space<vmem>>
      %dma_start3A_43 = arith.constant 0 : i32
      %dma_start3A_44 = tpu.memref_slice %arg5[%squeeze3A, %dma_start3A_43] : memref<100000x16xf32, #tpu.memory_space<hbm>> -> memref<1x16xf32, #tpu.memory_space<hbm>>
      tpu.enqueue_dma source(%dma_start3A_44 : memref<1x16xf32, #tpu.memory_space<hbm>>) target(%dma_start3A_42 : memref<1x16xf32, #tpu.memory_space<vmem>>) target_semaphore(%arg12 : memref<!tpu.dma_semaphore, #tpu.memory_space<semaphore_mem>>)
      %slice3A_45 = vector.extract_strided_slice %get3A_33 {offsets = [1], sizes = [1], strides = [1]} : vector<16xi32> to vector<1xi32>
      %squeeze3A_46 = vector.extract %slice3A_45[0] : i32 from vector<1xi32>
      %mul3A_47 = arith.constant 16 : i32
      %mul3A_48 = arith.muli %scan3A_29, %mul3A_47 : i32
      %add3A_49 = arith.constant 1 : i32
      %add3A_50 = arith.addi %mul3A_48, %add3A_49 : i32
      %dma_start3A_51 = arith.constant 0 : i32
      %dma_start3A_52 = tpu.memref_slice %arg11[%add3A_50, %dma_start3A_51] : memref<128x16xf32, #tpu.memory_space<vmem>> -> memref<1x16xf32, #tpu.memory_space<vmem>>
      %dma_start3A_53 = arith.constant 0 : i32
      %dma_start3A_54 = tpu.memref_slice %arg5[%squeeze3A_46, %dma_start3A_53] : memref<100000x16xf32, #tpu.memory_space<hbm>> -> memref<1x16xf32, #tpu.memory_space<hbm>>
      %dma_start3A_55 = arith.constant 0 : i32
      %dma_start3A_56 = tpu.memref_slice %arg11[%add3A_50, %dma_start3A_55] : memref<128x16xf32, #tpu.memory_space<vmem>> -> memref<1x16xf32, #tpu.memory_space<vmem>>
      %dma_start3A_57 = arith.constant 0 : i32
      %dma_start3A_58 = tpu.memref_slice %arg5[%squeeze3A_46, %dma_start3A_57] : memref<100000x16xf32, #tpu.memory_space<hbm>> -> memref<1x16xf32, #tpu.memory_space<hbm>>
      tpu.enqueue_dma source(%dma_start3A_58 : memref<1x16xf32, #tpu.memory_space<hbm>>) target(%dma_start3A_56 : memref<1x16xf32, #tpu.memory_space<vmem>>) target_semaphore(%arg12 : memref<!tpu.dma_semaphore, #tpu.memory_space<semaphore_mem>>)
      %slice3A_59 = vector.extract_strided_slice %get3A_33 {offsets = [2], sizes = [1], strides = [1]} : vector<16xi32> to vector<1xi32>
      %squeeze3A_60 = vector.extract %slice3A_59[0] : i32 from vector<1xi32>
      %mul3A_61 = arith.constant 16 : i32
      %mul3A_62 = arith.muli %scan3A_29, %mul3A_61 : i32
      %add3A_63 = arith.constant 2 : i32
      %add3A_64 = arith.addi %mul3A_62, %add3A_63 : i32
      %dma_start3A_65 = arith.constant 0 : i32
      %dma_start3A_66 = tpu.memref_slice %arg11[%add3A_64, %dma_start3A_65] : memref<128x16xf32, #tpu.memory_space<vmem>> -> memref<1x16xf32, #tpu.memory_space<vmem>>
      %dma_start3A_67 = arith.constant 0 : i32
      %dma_start3A_68 = tpu.memref_slice %arg5[%squeeze3A_60, %dma_start3A_67] : memref<100000x16xf32, #tpu.memory_space<hbm>> -> memref<1x16xf32, #tpu.memory_space<hbm>>
      %dma_start3A_69 = arith.constant 0 : i32
      %dma_start3A_70 = tpu.memref_slice %arg11[%add3A_64, %dma_start3A_69] : memref<128x16xf32, #tpu.memory_space<vmem>> -> memref<1x16xf32, #tpu.memory_space<vmem>>
      %dma_start3A_71 = arith.constant 0 : i32
      %dma_start3A_72 = tpu.memref_slice %arg5[%squeeze3A_60, %dma_start3A_71] : memref<100000x16xf32, #tpu.memory_space<hbm>> -> memref<1x16xf32, #tpu.memory_space<hbm>>
      tpu.enqueue_dma source(%dma_start3A_72 : memref<1x16xf32, #tpu.memory_space<hbm>>) target(%dma_start3A_70 : memref<1x16xf32, #tpu.memory_space<vmem>>) target_semaphore(%arg12 : memref<!tpu.dma_semaphore, #tpu.memory_space<semaphore_mem>>)
      %slice3A_73 = vector.extract_strided_slice %get3A_33 {offsets = [3], sizes = [1], strides = [1]} : vector<16xi32> to vector<1xi32>
      %squeeze3A_74 = vector.extract %slice3A_73[0] : i32 from vector<1xi32>
      %mul3A_75 = arith.constant 16 : i32
      %mul3A_76 = arith.muli %scan3A_29, %mul3A_75 : i32
      %add3A_77 = arith.constant 3 : i32
      %add3A_78 = arith.addi %mul3A_76, %add3A_77 : i32
      %dma_start3A_79 = arith.constant 0 : i32
      %dma_start3A_80 = tpu.memref_slice %arg11[%add3A_78, %dma_start3A_79] : memref<128x16xf32, #tpu.memory_space<vmem>> -> memref<1x16xf32, #tpu.memory_space<vmem>>
      %dma_start3A_81 = arith.constant 0 : i32
      %dma_start3A_82 = tpu.memref_slice %arg5[%squeeze3A_74, %dma_start3A_81] : memref<100000x16xf32, #tpu.memory_space<hbm>> -> memref<1x16xf32, #tpu.memory_space<hbm>>
      %dma_start3A_83 = arith.constant 0 : i32
      %dma_start3A_84 = tpu.memref_slice %arg11[%add3A_78, %dma_start3A_83] : memref<128x16xf32, #tpu.memory_space<vmem>> -> memref<1x16xf32, #tpu.memory_space<vmem>>
      %dma_start3A_85 = arith.constant 0 : i32
      %dma_start3A_86 = tpu.memref_slice %arg5[%squeeze3A_74, %dma_start3A_85] : memref<100000x16xf32, #tpu.memory_space<hbm>> -> memref<1x16xf32, #tpu.memory_space<hbm>>
      tpu.enqueue_dma source(%dma_start3A_86 : memref<1x16xf32, #tpu.memory_space<hbm>>) target(%dma_start3A_84 : memref<1x16xf32, #tpu.memory_space<vmem>>) target_semaphore(%arg12 : memref<!tpu.dma_semaphore, #tpu.memory_space<semaphore_mem>>)
      %slice3A_87 = vector.extract_strided_slice %get3A_33 {offsets = [4], sizes = [1], strides = [1]} : vector<16xi32> to vector<1xi32>
      %squeeze3A_88 = vector.extract %slice3A_87[0] : i32 from vector<1xi32>
      %mul3A_89 = arith.constant 16 : i32
      %mul3A_90 = arith.muli %scan3A_29, %mul3A_89 : i32
      %add3A_91 = arith.constant 4 : i32
      %add3A_92 = arith.addi %mul3A_90, %add3A_91 : i32
      %dma_start3A_93 = arith.constant 0 : i32
      %dma_start3A_94 = tpu.memref_slice %arg11[%add3A_92, %dma_start3A_93] : memref<128x16xf32, #tpu.memory_space<vmem>> -> memref<1x16xf32, #tpu.memory_space<vmem>>
      %dma_start3A_95 = arith.constant 0 : i32
      %dma_start3A_96 = tpu.memref_slice %arg5[%squeeze3A_88, %dma_start3A_95] : memref<100000x16xf32, #tpu.memory_space<hbm>> -> memref<1x16xf32, #tpu.memory_space<hbm>>
      %dma_start3A_97 = arith.constant 0 : i32
      %dma_start3A_98 = tpu.memref_slice %arg11[%add3A_92, %dma_start3A_97] : memref<128x16xf32, #tpu.memory_space<vmem>> -> memref<1x16xf32, #tpu.memory_space<vmem>>
      %dma_start3A_99 = arith.constant 0 : i32
      %dma_start3A_100 = tpu.memref_slice %arg5[%squeeze3A_88, %dma_start3A_99] : memref<100000x16xf32, #tpu.memory_space<hbm>> -> memref<1x16xf32, #tpu.memory_space<hbm>>
      tpu.enqueue_dma source(%dma_start3A_100 : memref<1x16xf32, #tpu.memory_space<hbm>>) target(%dma_start3A_98 : memref<1x16xf32, #tpu.memory_space<vmem>>) target_semaphore(%arg12 : memref<!tpu.dma_semaphore, #tpu.memory_space<semaphore_mem>>)
      %slice3A_101 = vector.extract_strided_slice %get3A_33 {offsets = [5], sizes = [1], strides = [1]} : vector<16xi32> to vector<1xi32>
      %squeeze3A_102 = vector.extract %slice3A_101[0] : i32 from vector<1xi32>
      %mul3A_103 = arith.constant 16 : i32
      %mul3A_104 = arith.muli %scan3A_29, %mul3A_103 : i32
      %add3A_105 = arith.constant 5 : i32
      %add3A_106 = arith.addi %mul3A_104, %add3A_105 : i32
      %dma_start3A_107 = arith.constant 0 : i32
      %dma_start3A_108 = tpu.memref_slice %arg11[%add3A_106, %dma_start3A_107] : memref<128x16xf32, #tpu.memory_space<vmem>> -> memref<1x16xf32, #tpu.memory_space<vmem>>
      %dma_start3A_109 = arith.constant 0 : i32
      %dma_start3A_110 = tpu.memref_slice %arg5[%squeeze3A_102, %dma_start3A_109] : memref<100000x16xf32, #tpu.memory_space<hbm>> -> memref<1x16xf32, #tpu.memory_space<hbm>>
      %dma_start3A_111 = arith.constant 0 : i32
      %dma_start3A_112 = tpu.memref_slice %arg11[%add3A_106, %dma_start3A_111] : memref<128x16xf32, #tpu.memory_space<vmem>> -> memref<1x16xf32, #tpu.memory_space<vmem>>
      %dma_start3A_113 = arith.constant 0 : i32
      %dma_start3A_114 = tpu.memref_slice %arg5[%squeeze3A_102, %dma_start3A_113] : memref<100000x16xf32, #tpu.memory_space<hbm>> -> memref<1x16xf32, #tpu.memory_space<hbm>>
      tpu.enqueue_dma source(%dma_start3A_114 : memref<1x16xf32, #tpu.memory_space<hbm>>) target(%dma_start3A_112 : memref<1x16xf32, #tpu.memory_space<vmem>>) target_semaphore(%arg12 : memref<!tpu.dma_semaphore, #tpu.memory_space<semaphore_mem>>)
      %slice3A_115 = vector.extract_strided_slice %get3A_33 {offsets = [6], sizes = [1], strides = [1]} : vector<16xi32> to vector<1xi32>
      %squeeze3A_116 = vector.extract %slice3A_115[0] : i32 from vector<1xi32>
      %mul3A_117 = arith.constant 16 : i32
      %mul3A_118 = arith.muli %scan3A_29, %mul3A_117 : i32
      %add3A_119 = arith.constant 6 : i32
      %add3A_120 = arith.addi %mul3A_118, %add3A_119 : i32
      %dma_start3A_121 = arith.constant 0 : i32
      %dma_start3A_122 = tpu.memref_slice %arg11[%add3A_120, %dma_start3A_121] : memref<128x16xf32, #tpu.memory_space<vmem>> -> memref<1x16xf32, #tpu.memory_space<vmem>>
      %dma_start3A_123 = arith.constant 0 : i32
      %dma_start3A_124 = tpu.memref_slice %arg5[%squeeze3A_116, %dma_start3A_123] : memref<100000x16xf32, #tpu.memory_space<hbm>> -> memref<1x16xf32, #tpu.memory_space<hbm>>
      %dma_start3A_125 = arith.constant 0 : i32
      %dma_start3A_126 = tpu.memref_slice %arg11[%add3A_120, %dma_start3A_125] : memref<128x16xf32, #tpu.memory_space<vmem>> -> memref<1x16xf32, #tpu.memory_space<vmem>>
      %dma_start3A_127 = arith.constant 0 : i32
      %dma_start3A_128 = tpu.memref_slice %arg5[%squeeze3A_116, %dma_start3A_127] : memref<100000x16xf32, #tpu.memory_space<hbm>> -> memref<1x16xf32, #tpu.memory_space<hbm>>
      tpu.enqueue_dma source(%dma_start3A_128 : memref<1x16xf32, #tpu.memory_space<hbm>>) target(%dma_start3A_126 : memref<1x16xf32, #tpu.memory_space<vmem>>) target_semaphore(%arg12 : memref<!tpu.dma_semaphore, #tpu.memory_space<semaphore_mem>>)
      %slice3A_129 = vector.extract_strided_slice %get3A_33 {offsets = [7], sizes = [1], strides = [1]} : vector<16xi32> to vector<1xi32>
      %squeeze3A_130 = vector.extract %slice3A_129[0] : i32 from vector<1xi32>
      %mul3A_131 = arith.constant 16 : i32
      %mul3A_132 = arith.muli %scan3A_29, %mul3A_131 : i32
      %add3A_133 = arith.constant 7 : i32
      %add3A_134 = arith.addi %mul3A_132, %add3A_133 : i32
      %dma_start3A_135 = arith.constant 0 : i32
      %dma_start3A_136 = tpu.memref_slice %arg11[%add3A_134, %dma_start3A_135] : memref<128x16xf32, #tpu.memory_space<vmem>> -> memref<1x16xf32, #tpu.memory_space<vmem>>
      %dma_start3A_137 = arith.constant 0 : i32
      %dma_start3A_138 = tpu.memref_slice %arg5[%squeeze3A_130, %dma_start3A_137] : memref<100000x16xf32, #tpu.memory_space<hbm>> -> memref<1x16xf32, #tpu.memory_space<hbm>>
      %dma_start3A_139 = arith.constant 0 : i32
      %dma_start3A_140 = tpu.memref_slice %arg11[%add3A_134, %dma_start3A_139] : memref<128x16xf32, #tpu.memory_space<vmem>> -> memref<1x16xf32, #tpu.memory_space<vmem>>
      %dma_start3A_141 = arith.constant 0 : i32
      %dma_start3A_142 = tpu.memref_slice %arg5[%squeeze3A_130, %dma_start3A_141] : memref<100000x16xf32, #tpu.memory_space<hbm>> -> memref<1x16xf32, #tpu.memory_space<hbm>>
      tpu.enqueue_dma source(%dma_start3A_142 : memref<1x16xf32, #tpu.memory_space<hbm>>) target(%dma_start3A_140 : memref<1x16xf32, #tpu.memory_space<vmem>>) target_semaphore(%arg12 : memref<!tpu.dma_semaphore, #tpu.memory_space<semaphore_mem>>)
      %slice3A_143 = vector.extract_strided_slice %get3A_33 {offsets = [8], sizes = [1], strides = [1]} : vector<16xi32> to vector<1xi32>
      %squeeze3A_144 = vector.extract %slice3A_143[0] : i32 from vector<1xi32>
      %mul3A_145 = arith.constant 16 : i32
      %mul3A_146 = arith.muli %scan3A_29, %mul3A_145 : i32
      %add3A_147 = arith.constant 8 : i32
      %add3A_148 = arith.addi %mul3A_146, %add3A_147 : i32
      %dma_start3A_149 = arith.constant 0 : i32
      %dma_start3A_150 = tpu.memref_slice %arg11[%add3A_148, %dma_start3A_149] : memref<128x16xf32, #tpu.memory_space<vmem>> -> memref<1x16xf32, #tpu.memory_space<vmem>>
      %dma_start3A_151 = arith.constant 0 : i32
      %dma_start3A_152 = tpu.memref_slice %arg5[%squeeze3A_144, %dma_start3A_151] : memref<100000x16xf32, #tpu.memory_space<hbm>> -> memref<1x16xf32, #tpu.memory_space<hbm>>
      %dma_start3A_153 = arith.constant 0 : i32
      %dma_start3A_154 = tpu.memref_slice %arg11[%add3A_148, %dma_start3A_153] : memref<128x16xf32, #tpu.memory_space<vmem>> -> memref<1x16xf32, #tpu.memory_space<vmem>>
      %dma_start3A_155 = arith.constant 0 : i32
      %dma_start3A_156 = tpu.memref_slice %arg5[%squeeze3A_144, %dma_start3A_155] : memref<100000x16xf32, #tpu.memory_space<hbm>> -> memref<1x16xf32, #tpu.memory_space<hbm>>
      tpu.enqueue_dma source(%dma_start3A_156 : memref<1x16xf32, #tpu.memory_space<hbm>>) target(%dma_start3A_154 : memref<1x16xf32, #tpu.memory_space<vmem>>) target_semaphore(%arg12 : memref<!tpu.dma_semaphore, #tpu.memory_space<semaphore_mem>>)
      %slice3A_157 = vector.extract_strided_slice %get3A_33 {offsets = [9], sizes = [1], strides = [1]} : vector<16xi32> to vector<1xi32>
      %squeeze3A_158 = vector.extract %slice3A_157[0] : i32 from vector<1xi32>
      %mul3A_159 = arith.constant 16 : i32
      %mul3A_160 = arith.muli %scan3A_29, %mul3A_159 : i32
      %add3A_161 = arith.constant 9 : i32
      %add3A_162 = arith.addi %mul3A_160, %add3A_161 : i32
      %dma_start3A_163 = arith.constant 0 : i32
      %dma_start3A_164 = tpu.memref_slice %arg11[%add3A_162, %dma_start3A_163] : memref<128x16xf32, #tpu.memory_space<vmem>> -> memref<1x16xf32, #tpu.memory_space<vmem>>
      %dma_start3A_165 = arith.constant 0 : i32
      %dma_start3A_166 = tpu.memref_slice %arg5[%squeeze3A_158, %dma_start3A_165] : memref<100000x16xf32, #tpu.memory_space<hbm>> -> memref<1x16xf32, #tpu.memory_space<hbm>>
      %dma_start3A_167 = arith.constant 0 : i32
      %dma_start3A_168 = tpu.memref_slice %arg11[%add3A_162, %dma_start3A_167] : memref<128x16xf32, #tpu.memory_space<vmem>> -> memref<1x16xf32, #tpu.memory_space<vmem>>
      %dma_start3A_169 = arith.constant 0 : i32
      %dma_start3A_170 = tpu.memref_slice %arg5[%squeeze3A_158, %dma_start3A_169] : memref<100000x16xf32, #tpu.memory_space<hbm>> -> memref<1x16xf32, #tpu.memory_space<hbm>>
      tpu.enqueue_dma source(%dma_start3A_170 : memref<1x16xf32, #tpu.memory_space<hbm>>) target(%dma_start3A_168 : memref<1x16xf32, #tpu.memory_space<vmem>>) target_semaphore(%arg12 : memref<!tpu.dma_semaphore, #tpu.memory_space<semaphore_mem>>)
      %slice3A_171 = vector.extract_strided_slice %get3A_33 {offsets = [10], sizes = [1], strides = [1]} : vector<16xi32> to vector<1xi32>
      %squeeze3A_172 = vector.extract %slice3A_171[0] : i32 from vector<1xi32>
      %mul3A_173 = arith.constant 16 : i32
      %mul3A_174 = arith.muli %scan3A_29, %mul3A_173 : i32
      %add3A_175 = arith.constant 10 : i32
      %add3A_176 = arith.addi %mul3A_174, %add3A_175 : i32
      %dma_start3A_177 = arith.constant 0 : i32
      %dma_start3A_178 = tpu.memref_slice %arg11[%add3A_176, %dma_start3A_177] : memref<128x16xf32, #tpu.memory_space<vmem>> -> memref<1x16xf32, #tpu.memory_space<vmem>>
      %dma_start3A_179 = arith.constant 0 : i32
      %dma_start3A_180 = tpu.memref_slice %arg5[%squeeze3A_172, %dma_start3A_179] : memref<100000x16xf32, #tpu.memory_space<hbm>> -> memref<1x16xf32, #tpu.memory_space<hbm>>
      %dma_start3A_181 = arith.constant 0 : i32
      %dma_start3A_182 = tpu.memref_slice %arg11[%add3A_176, %dma_start3A_181] : memref<128x16xf32, #tpu.memory_space<vmem>> -> memref<1x16xf32, #tpu.memory_space<vmem>>
      %dma_start3A_183 = arith.constant 0 : i32
      %dma_start3A_184 = tpu.memref_slice %arg5[%squeeze3A_172, %dma_start3A_183] : memref<100000x16xf32, #tpu.memory_space<hbm>> -> memref<1x16xf32, #tpu.memory_space<hbm>>
      tpu.enqueue_dma source(%dma_start3A_184 : memref<1x16xf32, #tpu.memory_space<hbm>>) target(%dma_start3A_182 : memref<1x16xf32, #tpu.memory_space<vmem>>) target_semaphore(%arg12 : memref<!tpu.dma_semaphore, #tpu.memory_space<semaphore_mem>>)
      %slice3A_185 = vector.extract_strided_slice %get3A_33 {offsets = [11], sizes = [1], strides = [1]} : vector<16xi32> to vector<1xi32>
      %squeeze3A_186 = vector.extract %slice3A_185[0] : i32 from vector<1xi32>
      %mul3A_187 = arith.constant 16 : i32
      %mul3A_188 = arith.muli %scan3A_29, %mul3A_187 : i32
      %add3A_189 = arith.constant 11 : i32
      %add3A_190 = arith.addi %mul3A_188, %add3A_189 : i32
      %dma_start3A_191 = arith.constant 0 : i32
      %dma_start3A_192 = tpu.memref_slice %arg11[%add3A_190, %dma_start3A_191] : memref<128x16xf32, #tpu.memory_space<vmem>> -> memref<1x16xf32, #tpu.memory_space<vmem>>
      %dma_start3A_193 = arith.constant 0 : i32
      %dma_start3A_194 = tpu.memref_slice %arg5[%squeeze3A_186, %dma_start3A_193] : memref<100000x16xf32, #tpu.memory_space<hbm>> -> memref<1x16xf32, #tpu.memory_space<hbm>>
      %dma_start3A_195 = arith.constant 0 : i32
      %dma_start3A_196 = tpu.memref_slice %arg11[%add3A_190, %dma_start3A_195] : memref<128x16xf32, #tpu.memory_space<vmem>> -> memref<1x16xf32, #tpu.memory_space<vmem>>
      %dma_start3A_197 = arith.constant 0 : i32
      %dma_start3A_198 = tpu.memref_slice %arg5[%squeeze3A_186, %dma_start3A_197] : memref<100000x16xf32, #tpu.memory_space<hbm>> -> memref<1x16xf32, #tpu.memory_space<hbm>>
      tpu.enqueue_dma source(%dma_start3A_198 : memref<1x16xf32, #tpu.memory_space<hbm>>) target(%dma_start3A_196 : memref<1x16xf32, #tpu.memory_space<vmem>>) target_semaphore(%arg12 : memref<!tpu.dma_semaphore, #tpu.memory_space<semaphore_mem>>)
      %slice3A_199 = vector.extract_strided_slice %get3A_33 {offsets = [12], sizes = [1], strides = [1]} : vector<16xi32> to vector<1xi32>
      %squeeze3A_200 = vector.extract %slice3A_199[0] : i32 from vector<1xi32>
      %mul3A_201 = arith.constant 16 : i32
      %mul3A_202 = arith.muli %scan3A_29, %mul3A_201 : i32
      %add3A_203 = arith.constant 12 : i32
      %add3A_204 = arith.addi %mul3A_202, %add3A_203 : i32
      %dma_start3A_205 = arith.constant 0 : i32
      %dma_start3A_206 = tpu.memref_slice %arg11[%add3A_204, %dma_start3A_205] : memref<128x16xf32, #tpu.memory_space<vmem>> -> memref<1x16xf32, #tpu.memory_space<vmem>>
      %dma_start3A_207 = arith.constant 0 : i32
      %dma_start3A_208 = tpu.memref_slice %arg5[%squeeze3A_200, %dma_start3A_207] : memref<100000x16xf32, #tpu.memory_space<hbm>> -> memref<1x16xf32, #tpu.memory_space<hbm>>
      %dma_start3A_209 = arith.constant 0 : i32
      %dma_start3A_210 = tpu.memref_slice %arg11[%add3A_204, %dma_start3A_209] : memref<128x16xf32, #tpu.memory_space<vmem>> -> memref<1x16xf32, #tpu.memory_space<vmem>>
      %dma_start3A_211 = arith.constant 0 : i32
      %dma_start3A_212 = tpu.memref_slice %arg5[%squeeze3A_200, %dma_start3A_211] : memref<100000x16xf32, #tpu.memory_space<hbm>> -> memref<1x16xf32, #tpu.memory_space<hbm>>
      tpu.enqueue_dma source(%dma_start3A_212 : memref<1x16xf32, #tpu.memory_space<hbm>>) target(%dma_start3A_210 : memref<1x16xf32, #tpu.memory_space<vmem>>) target_semaphore(%arg12 : memref<!tpu.dma_semaphore, #tpu.memory_space<semaphore_mem>>)
      %slice3A_213 = vector.extract_strided_slice %get3A_33 {offsets = [13], sizes = [1], strides = [1]} : vector<16xi32> to vector<1xi32>
      %squeeze3A_214 = vector.extract %slice3A_213[0] : i32 from vector<1xi32>
      %mul3A_215 = arith.constant 16 : i32
      %mul3A_216 = arith.muli %scan3A_29, %mul3A_215 : i32
      %add3A_217 = arith.constant 13 : i32
      %add3A_218 = arith.addi %mul3A_216, %add3A_217 : i32
      %dma_start3A_219 = arith.constant 0 : i32
      %dma_start3A_220 = tpu.memref_slice %arg11[%add3A_218, %dma_start3A_219] : memref<128x16xf32, #tpu.memory_space<vmem>> -> memref<1x16xf32, #tpu.memory_space<vmem>>
      %dma_start3A_221 = arith.constant 0 : i32
      %dma_start3A_222 = tpu.memref_slice %arg5[%squeeze3A_214, %dma_start3A_221] : memref<100000x16xf32, #tpu.memory_space<hbm>> -> memref<1x16xf32, #tpu.memory_space<hbm>>
      %dma_start3A_223 = arith.constant 0 : i32
      %dma_start3A_224 = tpu.memref_slice %arg11[%add3A_218, %dma_start3A_223] : memref<128x16xf32, #tpu.memory_space<vmem>> -> memref<1x16xf32, #tpu.memory_space<vmem>>
      %dma_start3A_225 = arith.constant 0 : i32
      %dma_start3A_226 = tpu.memref_slice %arg5[%squeeze3A_214, %dma_start3A_225] : memref<100000x16xf32, #tpu.memory_space<hbm>> -> memref<1x16xf32, #tpu.memory_space<hbm>>
      tpu.enqueue_dma source(%dma_start3A_226 : memref<1x16xf32, #tpu.memory_space<hbm>>) target(%dma_start3A_224 : memref<1x16xf32, #tpu.memory_space<vmem>>) target_semaphore(%arg12 : memref<!tpu.dma_semaphore, #tpu.memory_space<semaphore_mem>>)
      %slice3A_227 = vector.extract_strided_slice %get3A_33 {offsets = [14], sizes = [1], strides = [1]} : vector<16xi32> to vector<1xi32>
      %squeeze3A_228 = vector.extract %slice3A_227[0] : i32 from vector<1xi32>
      %mul3A_229 = arith.constant 16 : i32
      %mul3A_230 = arith.muli %scan3A_29, %mul3A_229 : i32
      %add3A_231 = arith.constant 14 : i32
      %add3A_232 = arith.addi %mul3A_230, %add3A_231 : i32
      %dma_start3A_233 = arith.constant 0 : i32
      %dma_start3A_234 = tpu.memref_slice %arg11[%add3A_232, %dma_start3A_233] : memref<128x16xf32, #tpu.memory_space<vmem>> -> memref<1x16xf32, #tpu.memory_space<vmem>>
      %dma_start3A_235 = arith.constant 0 : i32
      %dma_start3A_236 = tpu.memref_slice %arg5[%squeeze3A_228, %dma_start3A_235] : memref<100000x16xf32, #tpu.memory_space<hbm>> -> memref<1x16xf32, #tpu.memory_space<hbm>>
      %dma_start3A_237 = arith.constant 0 : i32
      %dma_start3A_238 = tpu.memref_slice %arg11[%add3A_232, %dma_start3A_237] : memref<128x16xf32, #tpu.memory_space<vmem>> -> memref<1x16xf32, #tpu.memory_space<vmem>>
      %dma_start3A_239 = arith.constant 0 : i32
      %dma_start3A_240 = tpu.memref_slice %arg5[%squeeze3A_228, %dma_start3A_239] : memref<100000x16xf32, #tpu.memory_space<hbm>> -> memref<1x16xf32, #tpu.memory_space<hbm>>
      tpu.enqueue_dma source(%dma_start3A_240 : memref<1x16xf32, #tpu.memory_space<hbm>>) target(%dma_start3A_238 : memref<1x16xf32, #tpu.memory_space<vmem>>) target_semaphore(%arg12 : memref<!tpu.dma_semaphore, #tpu.memory_space<semaphore_mem>>)
      %slice3A_241 = vector.extract_strided_slice %get3A_33 {offsets = [15], sizes = [1], strides = [1]} : vector<16xi32> to vector<1xi32>
      %squeeze3A_242 = vector.extract %slice3A_241[0] : i32 from vector<1xi32>
      %mul3A_243 = arith.constant 16 : i32
      %mul3A_244 = arith.muli %scan3A_29, %mul3A_243 : i32
      %add3A_245 = arith.constant 15 : i32
      %add3A_246 = arith.addi %mul3A_244, %add3A_245 : i32
      %dma_start3A_247 = arith.constant 0 : i32
      %dma_start3A_248 = tpu.memref_slice %arg11[%add3A_246, %dma_start3A_247] : memref<128x16xf32, #tpu.memory_space<vmem>> -> memref<1x16xf32, #tpu.memory_space<vmem>>
      %dma_start3A_249 = arith.constant 0 : i32
      %dma_start3A_250 = tpu.memref_slice %arg5[%squeeze3A_242, %dma_start3A_249] : memref<100000x16xf32, #tpu.memory_space<hbm>> -> memref<1x16xf32, #tpu.memory_space<hbm>>
      %dma_start3A_251 = arith.constant 0 : i32
      %dma_start3A_252 = tpu.memref_slice %arg11[%add3A_246, %dma_start3A_251] : memref<128x16xf32, #tpu.memory_space<vmem>> -> memref<1x16xf32, #tpu.memory_space<vmem>>
      %dma_start3A_253 = arith.constant 0 : i32
      %dma_start3A_254 = tpu.memref_slice %arg5[%squeeze3A_242, %dma_start3A_253] : memref<100000x16xf32, #tpu.memory_space<hbm>> -> memref<1x16xf32, #tpu.memory_space<hbm>>
      tpu.enqueue_dma source(%dma_start3A_254 : memref<1x16xf32, #tpu.memory_space<hbm>>) target(%dma_start3A_252 : memref<1x16xf32, #tpu.memory_space<vmem>>) target_semaphore(%arg12 : memref<!tpu.dma_semaphore, #tpu.memory_space<semaphore_mem>>)
      %scan3A_255 = arith.constant 0 : i32
      scf.yield %scan3A_255 : i32
    }
    %scan3A_17 = arith.constant 8 : i32
    %dma_wait3A = arith.constant 0 : i32
    %dma_wait3A_18 = arith.constant 0 : i32
    %dma_wait3A_19 = tpu.memref_slice %arg4[%dma_wait3A, %dma_wait3A_18] : memref<1000000x16xf32, #tpu.memory_space<hbm>> -> memref<512x16xf32, #tpu.memory_space<hbm>>
    %dma_wait3A_20 = arith.constant 0 : i32
    %dma_wait3A_21 = arith.constant 0 : i32
    %dma_wait3A_22 = tpu.memref_slice %arg4[%dma_wait3A_20, %dma_wait3A_21] : memref<1000000x16xf32, #tpu.memory_space<hbm>> -> memref<512x16xf32, #tpu.memory_space<hbm>>
    tpu.wait_dma2 semaphore(%arg12 : memref<!tpu.dma_semaphore, #tpu.memory_space<semaphore_mem>>) src(%dma_wait3A_22 : memref<512x16xf32, #tpu.memory_space<hbm>>) dst(%arg10 : memref<512x16xf32, #tpu.memory_space<vmem>>)
    %dma_wait3A_23 = arith.constant 0 : i32
    %dma_wait3A_24 = arith.constant 0 : i32
    %dma_wait3A_25 = tpu.memref_slice %arg5[%dma_wait3A_23, %dma_wait3A_24] : memref<100000x16xf32, #tpu.memory_space<hbm>> -> memref<128x16xf32, #tpu.memory_space<hbm>>
    %dma_wait3A_26 = arith.constant 0 : i32
    %dma_wait3A_27 = arith.constant 0 : i32
    %dma_wait3A_28 = tpu.memref_slice %arg5[%dma_wait3A_26, %dma_wait3A_27] : memref<100000x16xf32, #tpu.memory_space<hbm>> -> memref<128x16xf32, #tpu.memory_space<hbm>>
    tpu.wait_dma2 semaphore(%arg12 : memref<!tpu.dma_semaphore, #tpu.memory_space<semaphore_mem>>) src(%dma_wait3A_28 : memref<128x16xf32, #tpu.memory_space<hbm>>) dst(%arg11 : memref<128x16xf32, #tpu.memory_space<vmem>>)
    "tpu.region"() ({
      %run_scoped3A = tpu.sem_alloc : memref<!tpu.dma_semaphore, #tpu.memory_space<semaphore_mem>>
      %dma_start3A = arith.constant 0 : i32
      %dma_start3A_29 = tpu.memref_slice %arg6[%mul3A_2, %dma_start3A] : memref<16384x16xf32, #tpu.memory_space<hbm>> -> memref<512x16xf32, #tpu.memory_space<hbm>>
      %dma_start3A_30 = arith.constant 0 : i32
      %dma_start3A_31 = tpu.memref_slice %arg6[%mul3A_2, %dma_start3A_30] : memref<16384x16xf32, #tpu.memory_space<hbm>> -> memref<512x16xf32, #tpu.memory_space<hbm>>
      tpu.enqueue_dma source(%arg10 : memref<512x16xf32, #tpu.memory_space<vmem>>) target(%dma_start3A_31 : memref<512x16xf32, #tpu.memory_space<hbm>>) target_semaphore(%run_scoped3A : memref<!tpu.dma_semaphore, #tpu.memory_space<semaphore_mem>>)
      %dma_wait3A_32 = arith.constant 0 : i32
      %dma_wait3A_33 = tpu.memref_slice %arg6[%mul3A_2, %dma_wait3A_32] : memref<16384x16xf32, #tpu.memory_space<hbm>> -> memref<512x16xf32, #tpu.memory_space<hbm>>
      %dma_wait3A_34 = arith.constant 0 : i32
      %dma_wait3A_35 = tpu.memref_slice %arg6[%mul3A_2, %dma_wait3A_34] : memref<16384x16xf32, #tpu.memory_space<hbm>> -> memref<512x16xf32, #tpu.memory_space<hbm>>
      tpu.wait_dma2 semaphore(%run_scoped3A : memref<!tpu.dma_semaphore, #tpu.memory_space<semaphore_mem>>) src(%arg10 : memref<512x16xf32, #tpu.memory_space<vmem>>) dst(%dma_wait3A_35 : memref<512x16xf32, #tpu.memory_space<hbm>>)
      tpu.yield
    }) : () -> ()
    "tpu.region"() ({
      %run_scoped3A = tpu.sem_alloc : memref<!tpu.dma_semaphore, #tpu.memory_space<semaphore_mem>>
      %dma_start3A = arith.constant 0 : i32
      %dma_start3A_29 = tpu.memref_slice %arg7[%mul3A_4, %dma_start3A] : memref<4096x16xf32, #tpu.memory_space<hbm>> -> memref<128x16xf32, #tpu.memory_space<hbm>>
      %dma_start3A_30 = arith.constant 0 : i32
      %dma_start3A_31 = tpu.memref_slice %arg7[%mul3A_4, %dma_start3A_30] : memref<4096x16xf32, #tpu.memory_space<hbm>> -> memref<128x16xf32, #tpu.memory_space<hbm>>
      tpu.enqueue_dma source(%arg11 : memref<128x16xf32, #tpu.memory_space<vmem>>) target(%dma_start3A_31 : memref<128x16xf32, #tpu.memory_space<hbm>>) target_semaphore(%run_scoped3A : memref<!tpu.dma_semaphore, #tpu.memory_space<semaphore_mem>>)
      %dma_wait3A_32 = arith.constant 0 : i32
      %dma_wait3A_33 = tpu.memref_slice %arg7[%mul3A_4, %dma_wait3A_32] : memref<4096x16xf32, #tpu.memory_space<hbm>> -> memref<128x16xf32, #tpu.memory_space<hbm>>
      %dma_wait3A_34 = arith.constant 0 : i32
      %dma_wait3A_35 = tpu.memref_slice %arg7[%mul3A_4, %dma_wait3A_34] : memref<4096x16xf32, #tpu.memory_space<hbm>> -> memref<128x16xf32, #tpu.memory_space<hbm>>
      tpu.wait_dma2 semaphore(%run_scoped3A : memref<!tpu.dma_semaphore, #tpu.memory_space<semaphore_mem>>) src(%arg11 : memref<128x16xf32, #tpu.memory_space<vmem>>) dst(%dma_wait3A_35 : memref<128x16xf32, #tpu.memory_space<hbm>>)
      tpu.yield
    }) : () -> ()
    return
  }
}

module attributes {stable_mosaic.version = 14 : i64} {
  func.func @_mm_body(%arg0: i32, %arg1: memref<1024x16xf32, #tpu.memory_space<vmem>>, %arg2: memref<4096x16xf32, #tpu.memory_space<vmem>>, %arg3: memref<1024x4096xf32, #tpu.memory_space<vmem>>) attributes {dimension_semantics = [#tpu.dimension_semantics<arbitrary>], iteration_bounds = array<i64: 16>, scalar_prefetch = 0 : i64, scratch_operands = 0 : i64, tpu.core_type = #tpu.core_type<tc>, window_params = [{transform_indices = @transform_0, window_bounds = array<i64: 1024, 16>}, {pipeline_mode = #tpu.pipeline_mode<synchronous>, transform_indices = @transform_1, window_bounds = array<i64: 4096, 16>}, {transform_indices = @transform_2, window_bounds = array<i64: 1024, 4096>}]} {
    %get3A = arith.constant 0 : index
    %get3A_0 = arith.constant 0 : index
    %get3A_1 = vector.load %arg1[%get3A, %get3A_0] : memref<1024x16xf32, #tpu.memory_space<vmem>>, vector<1024x16xf32>
    %get3A_2 = arith.constant 0 : index
    %get3A_3 = arith.constant 0 : index
    %get3A_4 = vector.load %arg2[%get3A_2, %get3A_3] : memref<4096x16xf32, #tpu.memory_space<vmem>>, vector<4096x16xf32>
    %dot_general3A = arith.constant dense<0.000000e+00> : vector<1024x4096xf32>
    %dot_general3A_5 = tpu.matmul %get3A_1, %get3A_4, %dot_general3A {dimension_numbers = #tpu.dot_dimension_numbers<[1], [1], [0], [0], [0, 0, 1, 0], [], []>, transpose_lhs_hint = false} : vector<1024x16xf32>, vector<4096x16xf32>, vector<1024x4096xf32> -> vector<1024x4096xf32>
    %swap3A = arith.constant 0 : index
    %swap3A_6 = arith.constant 0 : index
    %swap3A_7 = vector.load %arg3[%swap3A, %swap3A_6] : memref<1024x4096xf32, #tpu.memory_space<vmem>>, vector<1024x4096xf32>
    tpu.vector_store %arg3[%swap3A, %swap3A_6], %dot_general3A_5 {strides = array<i32>} : memref<1024x4096xf32, #tpu.memory_space<vmem>>, vector<1024x4096xf32>,
    return
  }
  func.func @transform_0(%arg0: i32) -> (i32, i32) {
    %c0_i32 = arith.constant 0 : i32
    %c0_i32_0 = arith.constant 0 : i32
    return %arg0, %c0_i32 : i32, i32
  }
  func.func @transform_1(%arg0: i32) -> (i32, i32) {
    %c0_i32 = arith.constant 0 : i32
    %c0_i32_0 = arith.constant 0 : i32
    %c0_i32_1 = arith.constant 0 : i32
    return %c0_i32, %c0_i32_0 : i32, i32
  }
  func.func @transform_2(%arg0: i32) -> (i32, i32) {
    %c0_i32 = arith.constant 0 : i32
    %c0_i32_0 = arith.constant 0 : i32
    return %arg0, %c0_i32 : i32, i32
  }
}

</mosaic_0001>

<sc_bundles>
// kernel: kernel.4.cloned.1.call-start
scs
__scs_entry_jumppad:
0x0: {  	(pc) =	sbr.rel $0x88, $3  }
0x1: {  	(tag) =	ssettag $0x0;
	lr =	simm.s32 $0x1  }
0x2: {  	[smem:$0x3F9D] =	sst lr;
	_ =	strace $0xD0000000  }
0x3: {  	_ = 	snop  }
0x4: {  	_ = 	snop  }
0x5: {  	_ = 	snop  }
0x6: {  	_ = 	snop  }
0x7: {  	_ = 	snop  }
__scs_overlays_trampoline_lowered:
0x8: {  	[smem:$0x3FAC] =	sst s0  }
0x9: {  	[smem:$0x3FAD] =	sst s1  }
0xa: {  	[smem:$0x3FAE] =	sst s2  }
0xb: {  	[smem:$0x3FAF] =	sst s3  }
0xc: {  	[smem:$0x3FB0] =	sst s4  }
0xd: {  	[smem:$0x3FB1] =	sst s5  }
0xe: {  	[smem:$0x3FB2] =	sst s6  }
0xf: {  	[smem:$0x3FB3] =	sst s7  }
0x10: {  	[smem:$0x3FB4] =	sst s8  }
0x11: {  	[smem:$0x3FB5] =	sst s9;
	s0 =	simm.s32 @!p0 $0x0  }
0x12: {  	s1 =	sld [smem:$0x3F9B];
	s0 =	simm.s32 @p0 $0x1  }
0x13: {  	[smem:$0x3FB6] =	sst s0;
	s0 =	simm.s32 @!p1 $0x0  }
0x14: {  	s2 =	sld [smem:$0x3F9A];
	s0 =	simm.s32 @p1 $0x1  }
0x15: {  	[smem:$0x3FB7] =	sst s0;
	s0 =	simm.s32 @!p2 $0x0  }
0x16: {  	s3 =	sld [smem:$0x3FDB];
	s0 =	simm.s32 @p2 $0x1  }
0x17: {  	s4 =	simm.s32 $0x1BF5;
	[smem:$0x3FB9] =	sst s0  }
0x18: {  	s0 =	sld [smem:$0x3F9C];
	_ =	swait.ge [sflag:s4], $0x0  }
0x19: {  	s7 =	sld [smem:$0x3F9D]  }
0x1a: {  	s8 =	sadd.s32 $0xFFFFE003, lr  }
0x1b: {  	s9 =	sadd.s32 $0xFFFFFEF7, lr;
	s5 =	simm.s32 $0xFFFFFFFF;
	p2 =	slt.u32 s8, $0xFFFFF086  }
0x1c: {  	p1 =	slt.u32 s9, $0xF7A;
	s5 =	simm.s32 @!p2 $0x0  }
0x1d: {  	s5 =	simm.s32 @p1 $0x1;
	p0 =	seq.s32 s7, s2  }
0x1e: {  	s7 =	smul.u32 @!p0 $0xF7A, s2;
	p2 =	seq.s32 @!p0 s5, $0x0  }
0x1f: {  	s9 =	smul.u32 $0xF7A, s1;
	s8 =	simm.s32 @!p0 $0x1BF5;
	p2 =	por !p2, p0  }
0x20: {  	[sflag:s8] =	ssyncset.s32 @!p0 $0xFFFFF086;
	s6 =	sadd.s32 @!p0 s3, s7;
	s7 =	simm.s32 @!p0 $0x108  }
0x21: {  	s3 =	sadd.s32 s3, s9;
	s6 =	sadd.s32 @!p0 $0x88, s6;
	s7 =	simm.s32 @p2 $0x1082  }
0x22: {  	[simem:s7], [sflag:s8] =	dma.local @!p0 [hbm:s6], $0xF7A  }
0x23: {  	s9 =	sor.u32 $0xD0000000, s2;
	s6 =	simm.s32 $0x108;
	_ =	swait.ge @!p0 [sflag:s8], $0x0  }
0x24: {  	s3 =	sadd.s32 $0x88, s3;
	s6 =	simm.s32 @!p1 $0x1082;
	[sflag:s4] =	ssyncset.s32 $0xFFFFF086  }
0x25: {  	[simem:s6], [sflag:s4] =	dma.local [hbm:s3], $0xF7A  }
0x26: {  	[smem:$0x3F9D] =	sst s1;
	(tag) =	ssettag s2;
	_ =	strace s9  }
0x27: {  	s1 =	sld [smem:$0x3FAD]  }
0x28: {  	s2 =	sld [smem:$0x3FAE]  }
0x29: {  	s4 =	sld [smem:$0x3FB0]  }
0x2a: {  	p0 =	seq.s32 s5, $0x0;
	s5 =	sld [smem:$0x3FB1]  }
0x2b: {  	s6 =	sld [smem:$0x3FB2]  }
0x2c: {  	s7 =	sld [smem:$0x3FB3]  }
0x2d: {  	s3 =	simm.s32 $0x108;
	s8 =	sld [smem:$0x3FB4]  }
0x2e: {  	s3 =	simm.s32 @!p0 $0x1082;
	s9 =	sld [smem:$0x3FB5]  }
0x2f: {  	lr =	sadd.s32 s0, s3;
	s0 =	sld [smem:$0x3FAC]  }
0x30: {  	s3 =	sld [smem:$0x3FAF]  }
0x31: {  	[smem:$0x3FB8] =	sst s10  }
0x32: {  	s10 =	sld [smem:$0x3FB6];
	_ =	sdelay $0x3  }
0x33: {  	p0 =	seq.s32 s10, $0x1;
	s10 =	sld [smem:$0x3FB8];
	_ =	sdelay $0x3  }
0x34: {  	[smem:$0x3FB8] =	sst s10  }
0x35: {  	s10 =	sld [smem:$0x3FB7];
	_ =	sdelay $0x3  }
0x36: {  	p1 =	seq.s32 s10, $0x1;
	s10 =	sld [smem:$0x3FB8];
	_ =	sdelay $0x3  }
0x37: {  	[smem:$0x3FB8] =	sst s10  }
0x38: {  	s10 =	sld [smem:$0x3FB9]  }
0x39: {  	_ = 	snop;
	(pc) =	sbr.ind lr, $3  }
0x3a: {  	_ = 	snop  }
0x3b: {  	_ = 	snop  }
0x3c: {  	p2 =	seq.s32 s10, $0x1;
	s10 =	sld [smem:$0x3FB8]  }
0x3d: {  	_ =	shalt  }
0x3e: {  	_ =	shalt  }
0x3f: {  	_ =	shalt  }
0x40: {  	_ =	shalt  }
0x41: {  	_ =	shalt  }
0x42: {  	_ =	shalt  }
0x43: {  	_ =	shalt  }
0x44: {  	_ =	shalt  }
0x45: {  	_ =	shalt  }
0x46: {  	_ =	shalt  }
0x47: {  	_ =	shalt  }
0x48: {  	_ =	shalt  }
0x49: {  	_ =	shalt  }
0x4a: {  	_ =	shalt  }
0x4b: {  	_ =	shalt  }
0x4c: {  	_ =	shalt  }
0x4d: {  	_ =	shalt  }
0x4e: {  	_ =	shalt  }
0x4f: {  	_ =	shalt  }
0x50: {  	_ =	shalt  }
0x51: {  	_ =	shalt  }
0x52: {  	_ =	shalt  }
0x53: {  	_ =	shalt  }
0x54: {  	_ =	shalt  }
0x55: {  	_ =	shalt  }
0x56: {  	_ =	shalt  }
0x57: {  	_ =	shalt  }
0x58: {  	_ =	shalt  }
0x59: {  	_ =	shalt  }
0x5a: {  	_ =	shalt  }
0x5b: {  	_ =	shalt  }
0x5c: {  	_ =	shalt  }
0x5d: {  	_ =	shalt  }
0x5e: {  	_ =	shalt  }
0x5f: {  	_ =	shalt  }
0x60: {  	_ =	shalt  }
0x61: {  	_ =	shalt  }
0x62: {  	_ =	shalt  }
0x63: {  	_ =	shalt  }
0x64: {  	_ =	shalt  }
0x65: {  	_ =	shalt  }
0x66: {  	_ =	shalt  }
0x67: {  	_ =	shalt  }
0x68: {  	_ =	shalt  }
0x69: {  	_ =	shalt  }
0x6a: {  	_ =	shalt  }
0x6b: {  	_ =	shalt  }
0x6c: {  	_ =	shalt  }
0x6d: {  	_ =	shalt  }
0x6e: {  	_ =	shalt  }
0x6f: {  	_ =	shalt  }
0x70: {  	_ =	shalt  }
0x71: {  	_ =	shalt  }
0x72: {  	_ =	shalt  }
0x73: {  	_ =	shalt  }
0x74: {  	_ =	shalt  }
0x75: {  	_ =	shalt  }
0x76: {  	_ =	shalt  }
0x77: {  	_ =	shalt  }
0x78: {  	_ =	shalt  }
0x79: {  	_ =	shalt  }
0x7a: {  	_ =	shalt  }
0x7b: {  	_ =	shalt  }
0x7c: {  	_ =	shalt  }
0x7d: {  	_ =	shalt  }
0x7e: {  	_ =	shalt  }
0x7f: {  	_ =	shalt  }
0x80: {  	_ =	shalt  }
0x81: {  	_ =	shalt  }
0x82: {  	_ =	shalt  }
0x83: {  	_ =	shalt  }
0x84: {  	_ =	shalt  }
0x85: {  	_ =	shalt  }
0x86: {  	_ =	shalt  }
0x87: {  	_ =	shalt  }
.Lfunc_end0:
.L_simem_size_0:
called_computation_lowered:
.L_overlay_start_0:
0x88: {  	s2 =	sld [smem:$0x3FD9]  }
0x89: {  	s3 =	sld [smem:$0x3FFE];
	_ =	sdelay $0x1  }
0x8a: {  	s1 =	srdreg.scid  }
0x8b: {  	s0 =	sand.u32 $0x1, s1  }
0x8c: {  	s17 =	sshll.u32 s0, $0xA;
	s2 =	sadd.s32 s3, s2  }
0x8d: {  	s2 =	sadd.s32 s2, s17  }
0x8e: {  	[smem:$0x3FC4] =	sst s2  }
0x8f: {  	_ = 	snop  }
0x90: {  	s2 =	sld [smem:$0x3FC9]  }
0x91: {  	s18 =	sld [smem:$0x3FC8]  }
0x92: {  	s4 =	sld [smem:$0x3FD0];
	(tm) =	ssettm $0x1  }
0x93: {  	s5 =	sld [smem:$0x3FFB];
	_ =	sdelay $0x3  }
0x94: {  	_ =	strace s5  }
0x95: {  	s5 =	sld [smem:$0x3FFC];
	_ =	sdelay $0x3  }
0x96: {  	_ =	strace s5  }
0x97: {  	s5 =	sld [smem:$0x3FFD];
	_ =	sdelay $0x3  }
0x98: {  	_ =	strace s5  }
0x99: {  	_ =	strace $0x8FFFFFFF  }
0x9a: {  	s19 =	sld [smem:$0x3FDB];
	_ =	sdelay $0x1  }
0x9b: {  	s6 =	simm.s32 $_scs_section_size  }
0x9c: {  	s7 =	simm.s32 $_size__tile_overlayer_lowered;
	s8 =	simm.s32 $_tile_overlayer_lowered  }
0x9d: {  	s22 =	simm.s32 $0x1BFF;
	s21 =	sshll.u32 s8, $0x1;
	s5 =	sadd.s32 s6, s19  }
0x9e: {  	s9 =	simm.s32 $0x0;
	s20 =	sshll.u32 s7, $0x1;
	s7 =	sadd.s32 s21, s5  }
0x9f: {  	[timem:s9], [sflag:s22] =	dma.local [hbm:s7], s20  }
0xa0: {  	_ =	swait.ge [sflag:s22], s20  }
0xa1: {  	s6 =	ssub.s32 $0x0, s20;
	[sflag:s22] =	ssyncset.done $0x0  }
0xa2: {  	[sflag:s22] =	ssyncadd.s32 s6;
	_ =	sdelay $0x1  }
0xa3: {  	s23 =	simm.s32 $0x1B8B  }
0xa4: {  	_ =	swait.ge [sflag:s23], $0x1  }
0xa5: {  	[sflag:s23] =	ssyncset.done $0x0  }
0xa6: {  	s25 =	simm.s32 $0x1B8E;
	s24 =	sld [smem:$0x3FFE];
	[sflag:s23] =	ssyncadd.s32 $0xFFFFFFFF  }
0xa7: {  	s26 =	simm.s32 $execute0_lowered;
	[smem:$0x3FD2] =	sst s25  }
0xa8: {  	s7 =	sshll.u32 s26, $0x1;
	_ =	strace $0x80000046;
	[dreg:$0x1] =	wrdreg $0xFFFFFFFF  }
0xa9: {  	s28 =	simm.s32 $_size_execute0_lowered;
	s5 =	sadd.s32 s5, s7;
	[dreg:$0x0] =	wrdreg $0x0  }
0xaa: {  	s7 =	sshll.u32 s28, $0x1;
	[dreg:$0x2] =	wrdreg s5  }
0xab: {  	[dreg:$0x3] =	wrdreg s7  }
0xac: {  	[dreg:$0x4] =	wrdreg $0xC0  }
0xad: {  	_ =	task [dreg:s9], $0x5FFFF  }
0xae: {  	[dreg:$0x1] =	wrdreg $0xFFFFFFFF  }
0xaf: {  	[dreg:$0x0] =	wrdreg $0x60  }
0xb0: {  	[dreg:$0x2] =	wrdreg s2  }
0xb1: {  	[dreg:$0x3] =	wrdreg s18  }
0xb2: {  	[dreg:$0x4] =	wrdreg s24  }
0xb3: {  	[dreg:$0x5] =	wrdreg s4  }
0xb4: {  	[dreg:$0x6] =	wrdreg $0x9  }
0xb5: {  	_ =	task.clear_ibuf [dreg:s9], $0x7FFFF;
	_ =	strace $0x90000046  }
0xb6: {  	s29 =	simm.s32 $0x9;
	_ =	strace $0x80000048  }
0xb7: {  	_ =	swait.ge [sflag:s29], $0x1  }
0xb8: {  	[sflag:s29] =	ssyncadd.s32 $0xFFFFFFFF  }
0xb9: {  	_ =	strace $0x90000048  }
0xba: {  	_ =	sfence  }
0xbb: {  	s30 =	sld [smem:$0x0];
	_ =	sdelay $0x2  }
0xbc: {  	s31 =	sshll.u32 s1, $0xD;
	s1 =	sshrl.u32 s1, $0x2  }
0xbd: {  	s3 =	sand.u32 $0x4000, s31;
	s1 =	sadd.s32 s1, s30  }
0xbe: {  	s0 =	sor.u32 s3, s0;
	s1 =	sshll.u32 s1, $0x11  }
0xbf: {  	s0 =	sor.u32 s1, s0  }
0xc0: {  	s0 =	sadd.s32 $0x8F2B, s0  }
0xc1: {  	[sflag:s0] =	ssyncadd.remote.s32 $0x1  }
0xc2: {  	_ =	sfence.sel $0xFFFF  }
0xc3: {  	[dreg:$0x0] =	wrdreg $0xFFFFFFFF;
	(pc) =	sbr.abs _section_cstart, $3  }
0xc4: {  	[dreg:$0x1] =	wrdreg $0xFFFFFFFF  }
0xc5: {  	_ =	task.clear_ibuf [dreg:s9], $0x2FFFF;
	_ =	strace $0x9FFFFFFF  }
0xc6: {  	(tm) =	ssettm $0x7FFFFFFF  }
0xc7: {  	_ =	shalt  }
tec
execute0_lowered:
.L_overlay_start_1:
0x0: {  	(tag) =	ssettag $0x1  }
0x1: {  	s5 =	rddreg [dreg:$0x0]  }
0x2: {  	s6 =	rddreg [dreg:$0x1]  }
0x3: {  	s7 =	rddreg [dreg:$0x2]  }
0x4: {  	s2 =	rddreg [dreg:$0x3]  }
0x5: {  	s3 =	simm.s32 $0x0;
	s4 =	srdreg.scid;
	s0 =	stileid.u32  }
0x6: {  	s15 =	simm.s32 $0x0;
	s8 =	sand.u32 $0x1, s4;
	s29 =	sshll.u32 s0, $0x1  }
0x7: {  	[smem:$0x7FF] =	sst s3;
	s4 =	sadd.s32 $0xC00, s7;
	s9 =	sor.u32 s8, s29  }
0x8: {  	_ =	strace $0x80000047;
	s30 =	ssub.s32 $0x2, s8;
	s10 =	sshll.u32 s9, $0xD  }
0x9: {  	s11 =	sshll.u32 s9, $0xB;
	s8 =	sshrl.u32 s30, $0x1;
	s12 =	sshll.u32 s9, $0x6  }
0xa: {  	s9 =	sshll.u32 s9, $0x4;
	s10 =	sadd.s32 s10, s7;
	s11 =	sadd.s32 s11, s7  }
0xb: {  	s13 =	ssub.s32 s30, s8;
	s31 =	sadd.s32 s5, s12;
	s6 =	sadd.s32 s6, s9  }
0xc: {  	s12 =	simm.s32 $0x1;
	[dreg:$0x5] =	wrdreg s31;
	s7 =	sadd.s32 $0xF43000, s10  }
0xd: {  	s8 =	sadd.s32 $0xF83000, s11;
	s9 =	smax.u32 s13, $0x1;
	s10 =	simm.s32 $0x2  }
.LBB2_1:
0xe: {  	s0 =	rddreg [dreg:$0x5]  }
0xf: {  	[tilespmem:s3], [sflag:$0x2] =	stream.linear.gather [hbm4b:s0+s3], $0x200, $0x38;
	[tilespmem:$0x14280] =	vst v63  }
0x10: {  	_ =	swait.ge [sflag:s10], $0x200  }
0x11: {  	[sflag:s10] =	ssyncset.done $0x0  }
0x12: {  	s31 =	simm.s32 $0x200;
	[sflag:s10] =	ssyncadd.s32 $0xFFFFFE00  }
0x13: {  	[tilespmem:s31], [sflag:$0x2] =	stream.linear.gather [hbm4b:s6+s3], $0x80, $0x38;
	[tilespmem:$0x14280] =	vst v63  }
0x14: {  	_ =	swait.ge [sflag:s10], $0x80  }
0x15: {  	[sflag:s10] =	ssyncset.done $0x0  }
0x16: {  	[sflag:s10] =	ssyncadd.s32 $0xFFFFFF80  }
0x17: {  	v0 =	vld [tilespmem:s3+$0x0];
	_ =	sdelay $0x4  }
0x18: {  	v0 =	vshll.u32 v0, $0x4  }
0x19: {  	(v2sf) =	vpush v0, $0x0  }
0x1a: {  	(v2sf) =	vpush v0, $0x1  }
0x1b: {  	(v2sf) =	vpush v0, $0x2;
	_ =	sdelay $0x1  }
0x1c: {  	(v2sf) =	vpush v0, $0x4;
	_ =	sdelay $0x1  }
0x1d: {  	(v2sf) =	vpush v0, $0x3  }
0x1e: {  	(v2sf) =	vpush v0, $0x5  }
0x1f: {  	s18 =	simm.s32 $0x2000;
	s17 =	simm.s32 $0x0;
	s19 =	simm.s32 $0x0;
	(v2sf) =	vpush v0, $0x6  }
.LBB2_2:
0x20: {  	p0 =	sne.s32 s18, $0x3E000  }
0x21: {  	s30 =	sadd.s32 $0x300, s17;
	s23 =	sadd.s32 $0x800, s17;
	s20 =	smov.u32 s18  }
0x22: {  	s18 =	sadd.s32 $0x2000, s18;
	s26 =	sadd.s32 $0x600, s17;
	s21 =	sadd.s32 $0x880, s17;
	(v2sf) =	vpush v0, $0x7  }
0x23: {  	s29 =	sadd.s32 $0x500, s17;
	s24 =	sadd.s32 $0x680, s17;
	s22 =	sadd.s32 $0x900, s17  }
0x24: {  	s31 =	sadd.s32 $0x280, s17;
	s0 =	sadd.s32 $0x480, s17;
	(v2sf) =	vpush v0, $0x8  }
0x25: {  	s16 =	simm.s32 $0x0;
	s1 =	sadd.s32 $0x580, s17;
	s19 =	sadd.s32 $0x10, s19  }
0x26: {  	s11 =	sadd.s32 $0x380, s17;
	s25 =	sadd.s32 $0x780, s17;
	s28 =	spop (v2sf);
	(v2sf) =	vpush v0, $0x9  }
0x27: {  	s13 =	sand.u32 $0x1FFFFFF0, s28;
	s28 =	sadd.s32 $0x700, s17;
	s14 =	spop (v2sf)  }
0x28: {  	s13 =	sadd.s32 s4, s13;
	s14 =	sand.u32 $0x1FFFFFF0, s14;
	s5 =	spop (v2sf);
	(v2sf) =	vpush v0, $0xA  }
0x29: {  	[tilespmem:s31], [sflag:$0x1] =	stream.linear.gather [hbm4b:s13+s16], $0x80, $0x38;
	[tilespmem:$0x14280] =	vst v63  }
0x2a: {  	s13 =	sadd.s32 s4, s14;
	s14 =	sadd.s32 $0x400, s17;
	s31 =	spop (v2sf);
	(v2sf) =	vpush v0, $0xB  }
0x2b: {  	[tilespmem:s30], [sflag:$0x1] =	stream.linear.gather [hbm4b:s13+s16], $0x80, $0x38;
	[tilespmem:$0x14280] =	vst v63  }
0x2c: {  	s5 =	sand.u32 $0x1FFFFFF0, s5;
	s13 =	sand.u32 $0x1FFFFFF0, s31;
	s30 =	spop (v2sf);
	(v2sf) =	vpush v0, $0xC  }
0x2d: {  	s5 =	sadd.s32 s4, s5;
	s30 =	sand.u32 $0x1FFFFFF0, s30;
	s31 =	spop (v2sf)  }
0x2e: {  	[tilespmem:s11], [sflag:$0x1] =	stream.linear.gather [hbm4b:s5+s16], $0x80, $0x38;
	(v2sf) =	vpush v0, $0xD;
	[tilespmem:$0x14280] =	vst v63  }
0x2f: {  	s5 =	sadd.s32 s4, s30;
	s11 =	sand.u32 $0x1FFFFFF0, s31;
	s30 =	spop (v2sf)  }
0x30: {  	[tilespmem:s14], [sflag:$0x1] =	stream.linear.gather [hbm4b:s5+s16], $0x80, $0x38;
	(v2sf) =	vpush v0, $0xE;
	[tilespmem:$0x14280] =	vst v63  }
0x31: {  	s5 =	sadd.s32 s4, s13;
	s13 =	sand.u32 $0x1FFFFFF0, s30;
	s14 =	spop (v2sf)  }
0x32: {  	[tilespmem:s0], [sflag:$0x1] =	stream.linear.gather [hbm4b:s5+s16], $0x80, $0x38;
	(v2sf) =	vpush v0, $0xF;
	[tilespmem:$0x14280] =	vst v63  }
0x33: {  	s0 =	sadd.s32 s4, s11;
	s5 =	sand.u32 $0x1FFFFFF0, s14;
	s11 =	spop (v2sf)  }
0x34: {  	[tilespmem:s29], [sflag:$0x1] =	stream.linear.gather [hbm4b:s0+s16], $0x80, $0x38;
	[tilespmem:$0x14280] =	vst v63  }
0x35: {  	s0 =	sadd.s32 s4, s13;
	s11 =	sand.u32 $0x1FFFFFF0, s11;
	s13 =	spop (v2sf)  }
0x36: {  	[tilespmem:s1], [sflag:$0x1] =	stream.linear.gather [hbm4b:s0+s16], $0x80, $0x38;
	[tilespmem:$0x14280] =	vst v63  }
0x37: {  	s0 =	sadd.s32 s4, s5;
	s1 =	sand.u32 $0x1FFFFFF0, s13;
	s5 =	spop (v2sf)  }
0x38: {  	[tilespmem:s26], [sflag:$0x1] =	stream.linear.gather [hbm4b:s0+s16], $0x80, $0x38;
	[tilespmem:$0x14280] =	vst v63  }
0x39: {  	s0 =	sadd.s32 s4, s11;
	s5 =	sand.u32 $0x1FFFFFF0, s5;
	s11 =	spop (v2sf)  }
0x3a: {  	[tilespmem:s24], [sflag:$0x1] =	stream.linear.gather [hbm4b:s0+s16], $0x80, $0x38;
	[tilespmem:$0x14280] =	vst v63  }
0x3b: {  	s0 =	sadd.s32 s4, s1;
	s1 =	sand.u32 $0x1FFFFFF0, s11;
	s11 =	spop (v2sf)  }
0x3c: {  	[tilespmem:s28], [sflag:$0x1] =	stream.linear.gather [hbm4b:s0+s16], $0x80, $0x38;
	[tilespmem:$0x14280] =	vst v63  }
0x3d: {  	s0 =	sadd.s32 s4, s5;
	s5 =	sand.u32 $0x1FFFFFF0, s11;
	s11 =	spop (v2sf)  }
0x3e: {  	[tilespmem:s25], [sflag:$0x1] =	stream.linear.gather [hbm4b:s0+s16], $0x80, $0x38;
	[tilespmem:$0x14280] =	vst v63  }
0x3f: {  	s0 =	sadd.s32 s4, s1;
	s1 =	sand.u32 $0x1FFFFFF0, s11;
	s11 =	spop (v2sf)  }
0x40: {  	[tilespmem:s23], [sflag:$0x1] =	stream.linear.gather [hbm4b:s0+s16], $0x80, $0x38;
	[tilespmem:$0x14280] =	vst v63  }
0x41: {  	s0 =	sadd.s32 s4, s5;
	s5 =	sand.u32 $0x1FFFFFF0, s11;
	s11 =	spop (v2sf)  }
0x42: {  	[tilespmem:s21], [sflag:$0x1] =	stream.linear.gather [hbm4b:s0+s16], $0x80, $0x38;
	[tilespmem:$0x14280] =	vst v63  }
0x43: {  	s0 =	sadd.s32 s4, s1;
	s1 =	sand.u32 $0x1FFFFFF0, s11  }
0x44: {  	[tilespmem:s22], [sflag:$0x1] =	stream.linear.gather [hbm4b:s0+s16], $0x80, $0x38;
	[tilespmem:$0x14280] =	vst v63  }
0x45: {  	s5 =	sadd.s32 s4, s5;
	s0 =	sadd.s32 $0x980, s17  }
0x46: {  	[tilespmem:s0], [sflag:$0x1] =	stream.linear.gather [hbm4b:s5+s16], $0x80, $0x38;
	[tilespmem:$0x14280] =	vst v63  }
0x47: {  	s1 =	sadd.s32 s4, s1;
	s0 =	sadd.s32 $0xA00, s17  }
0x48: {  	[tilespmem:s0], [sflag:$0x1] =	stream.linear.gather [hbm4b:s1+s16], $0x80, $0x38;
	[tilespmem:$0x14280] =	vst v63  }
0x49: {  	v0 =	vld [tilespmem:s19+$0x0];
	_ =	sdelay $0x4  }
0x4a: {  	v0 =	vshll.u32 v0, $0x4  }
0x4b: {  	(v2sf) =	vpush v0, $0x0  }
0x4c: {  	(v2sf) =	vpush v0, $0x1  }
0x4d: {  	(v2sf) =	vpush v0, $0x2;
	_ =	sdelay $0x1  }
0x4e: {  	(v2sf) =	vpush v0, $0x4  }
.Ltmp0:
0x4f: {  	(pc) =	sbr.rel @p0 .LBB2_2-.Ltmp0, $3  }
0x50: {  	(v2sf) =	vpush v0, $0x3  }
0x51: {  	(v2sf) =	vpush v0, $0x5;
	_ =	sdelay $0x1  }
0x52: {  	s17 =	sshra.s32 s20, $0x2;
	(v2sf) =	vpush v0, $0x6  }
0x53: {  	_ =	sdelay $0x1  }
0x54: {  	s0 =	sadd.s32 $0x300, s17;
	s20 =	sadd.s32 $0x800, s17  }
0x55: {  	s1 =	sadd.s32 $0x600, s17;
	s18 =	sadd.s32 $0x880, s17;
	(v2sf) =	vpush v0, $0x7;
	s5 =	sadd.s32 $0x500, s17  }
0x56: {  	s11 =	sadd.s32 $0x680, s17;
	s19 =	sadd.s32 $0x900, s17;
	s13 =	sadd.s32 $0x280, s17  }
0x57: {  	s14 =	sadd.s32 $0x480, s17;
	s21 =	sadd.s32 $0x580, s17;
	(v2sf) =	vpush v0, $0x8;
	s22 =	spop (v2sf)  }
0x58: {  	s23 =	sadd.s32 $0x380, s17;
	s22 =	sand.u32 $0x1FFFFFF0, s22;
	s24 =	spop (v2sf)  }
0x59: {  	(v2sf) =	vpush v0, $0x9;
	s22 =	sadd.s32 s4, s22;
	s24 =	sand.u32 $0x1FFFFFF0, s24;
	s25 =	spop (v2sf)  }
0x5a: {  	[tilespmem:s13], [sflag:$0x1] =	stream.linear.gather [hbm4b:s22+s16], $0x80, $0x38;
	[tilespmem:$0x14280] =	vst v63  }
0x5b: {  	(v2sf) =	vpush v0, $0xA;
	s26 =	sadd.s32 s4, s24;
	s29 =	sand.u32 $0x1FFFFFF0, s25;
	s28 =	spop (v2sf)  }
0x5c: {  	[tilespmem:s0], [sflag:$0x1] =	stream.linear.gather [hbm4b:s26+s16], $0x80, $0x38;
	[tilespmem:$0x14280] =	vst v63  }
0x5d: {  	s13 =	sadd.s32 $0x780, s17;
	(v2sf) =	vpush v0, $0xB;
	s22 =	sadd.s32 s4, s29;
	s30 =	spop (v2sf)  }
0x5e: {  	s0 =	sadd.s32 $0x700, s17;
	s26 =	sadd.s32 $0x400, s17;
	s25 =	sand.u32 $0x1FFFFFF0, s30  }
0x5f: {  	(v2sf) =	vpush v0, $0xC;
	[tilespmem:s23], [sflag:$0x1] =	stream.linear.gather [hbm4b:s22+s16], $0x80, $0x38;
	[tilespmem:$0x14280] =	vst v63  }
0x60: {  	s31 =	sand.u32 $0x1FFFFFF0, s28;
	s28 =	spop (v2sf);
	s29 =	sadd.s32 s4, s25  }
0x61: {  	(v2sf) =	vpush v0, $0xD;
	[tilespmem:s26], [sflag:$0x1] =	stream.linear.gather [hbm4b:s29+s16], $0x80, $0x38;
	[tilespmem:$0x14280] =	vst v63  }
0x62: {  	s22 =	sadd.s32 s4, s31;
	s23 =	sand.u32 $0x1FFFFFF0, s28;
	s30 =	spop (v2sf)  }
0x63: {  	(v2sf) =	vpush v0, $0xE;
	[tilespmem:s14], [sflag:$0x1] =	stream.linear.gather [hbm4b:s22+s16], $0x80, $0x38;
	[tilespmem:$0x14280] =	vst v63  }
0x64: {  	s23 =	sadd.s32 s4, s23;
	s31 =	sand.u32 $0x1FFFFFF0, s30;
	s24 =	spop (v2sf)  }
0x65: {  	(v2sf) =	vpush v0, $0xF;
	[tilespmem:s5], [sflag:$0x1] =	stream.linear.gather [hbm4b:s23+s16], $0x80, $0x38;
	[tilespmem:$0x14280] =	vst v63  }
0x66: {  	s25 =	sand.u32 $0x1FFFFFF0, s24;
	s26 =	spop (v2sf);
	s14 =	sadd.s32 s4, s31  }
0x67: {  	[tilespmem:s21], [sflag:$0x1] =	stream.linear.gather [hbm4b:s14+s16], $0x80, $0x38;
	[tilespmem:$0x14280] =	vst v63  }
0x68: {  	s28 =	sand.u32 $0x1FFFFFF0, s26;
	s5 =	sadd.s32 s4, s25;
	s29 =	spop (v2sf)  }
0x69: {  	[tilespmem:s1], [sflag:$0x1] =	stream.linear.gather [hbm4b:s5+s16], $0x80, $0x38;
	[tilespmem:$0x14280] =	vst v63  }
0x6a: {  	s14 =	sadd.s32 s4, s28;
	s30 =	sand.u32 $0x1FFFFFF0, s29;
	s31 =	spop (v2sf)  }
0x6b: {  	[tilespmem:s11], [sflag:$0x1] =	stream.linear.gather [hbm4b:s14+s16], $0x80, $0x38;
	[tilespmem:$0x14280] =	vst v63  }
0x6c: {  	s5 =	sand.u32 $0x1FFFFFF0, s31;
	s1 =	sadd.s32 s4, s30;
	s14 =	spop (v2sf)  }
0x6d: {  	[tilespmem:s0], [sflag:$0x1] =	stream.linear.gather [hbm4b:s1+s16], $0x80, $0x38;
	[tilespmem:$0x14280] =	vst v63  }
0x6e: {  	s5 =	sadd.s32 s4, s5;
	s21 =	sand.u32 $0x1FFFFFF0, s14;
	s22 =	spop (v2sf)  }
0x6f: {  	[tilespmem:s13], [sflag:$0x1] =	stream.linear.gather [hbm4b:s5+s16], $0x80, $0x38;
	[tilespmem:$0x14280] =	vst v63  }
0x70: {  	s0 =	sadd.s32 s4, s21;
	s1 =	sand.u32 $0x1FFFFFF0, s22;
	s23 =	spop (v2sf)  }
0x71: {  	[tilespmem:s20], [sflag:$0x1] =	stream.linear.gather [hbm4b:s0+s16], $0x80, $0x38;
	[tilespmem:$0x14280] =	vst v63  }
0x72: {  	s24 =	sand.u32 $0x1FFFFFF0, s23;
	s1 =	sadd.s32 s4, s1;
	s25 =	spop (v2sf)  }
0x73: {  	[tilespmem:s18], [sflag:$0x1] =	stream.linear.gather [hbm4b:s1+s16], $0x80, $0x38;
	[tilespmem:$0x14280] =	vst v63  }
0x74: {  	s26 =	sand.u32 $0x1FFFFFF0, s25;
	s28 =	spop (v2sf);
	s0 =	sadd.s32 s4, s24  }
0x75: {  	[tilespmem:s19], [sflag:$0x1] =	stream.linear.gather [hbm4b:s0+s16], $0x80, $0x38;
	[tilespmem:$0x14280] =	vst v63  }
0x76: {  	s30 =	sadd.s32 $0x980, s17;
	s29 =	sand.u32 $0x1FFFFFF0, s28;
	s1 =	sadd.s32 s4, s26  }
0x77: {  	[tilespmem:s30], [sflag:$0x1] =	stream.linear.gather [hbm4b:s1+s16], $0x80, $0x38;
	[tilespmem:$0x14280] =	vst v63  }
0x78: {  	s31 =	sadd.s32 $0xA00, s17;
	s17 =	simm.s32 $0x200;
	s0 =	sadd.s32 s4, s29  }
0x79: {  	[tilespmem:s31], [sflag:$0x1] =	stream.linear.gather [hbm4b:s0+s16], $0x80, $0x38;
	[tilespmem:$0x14280] =	vst v63  }
0x7a: {  	v0 =	vld [tilespmem:s17+$0x0];
	_ =	sdelay $0x4  }
0x7b: {  	v0 =	vshll.u32 v0, $0x4  }
0x7c: {  	(v2sf) =	vpush v0, $0x0  }
0x7d: {  	(v2sf) =	vpush v0, $0x1  }
0x7e: {  	(v2sf) =	vpush v0, $0x2;
	_ =	sdelay $0x1  }
0x7f: {  	(v2sf) =	vpush v0, $0x4;
	_ =	sdelay $0x1  }
0x80: {  	(v2sf) =	vpush v0, $0x3  }
0x81: {  	(v2sf) =	vpush v0, $0x5  }
0x82: {  	s18 =	simm.s32 $0x2000;
	s16 =	simm.s32 $0x0;
	(v2sf) =	vpush v0, $0x6  }
.LBB2_4:
0x83: {  	p0 =	sne.s32 s18, $0xE000  }
0x84: {  	s0 =	sadd.s32 $0x10300, s16;
	s22 =	sadd.s32 $0x10800, s16;
	s19 =	smov.u32 s18  }
0x85: {  	s18 =	sadd.s32 $0x2000, s18;
	s25 =	sadd.s32 $0x10600, s16;
	s20 =	sadd.s32 $0x10880, s16;
	(v2sf) =	vpush v0, $0x7  }
0x86: {  	s28 =	sadd.s32 $0x10500, s16;
	s24 =	sadd.s32 $0x10680, s16;
	s21 =	sadd.s32 $0x10900, s16  }
0x87: {  	s1 =	sadd.s32 $0x10280, s16;
	s5 =	sadd.s32 $0x10480, s16;
	(v2sf) =	vpush v0, $0x8  }
0x88: {  	s11 =	sadd.s32 $0x10580, s16;
	s17 =	sadd.s32 $0x10, s17  }
0x89: {  	s13 =	sadd.s32 $0x10380, s16;
	s23 =	sadd.s32 $0x10780, s16;
	s14 =	spop (v2sf);
	(v2sf) =	vpush v0, $0x9  }
0x8a: {  	s26 =	sadd.s32 $0x10700, s16;
	s14 =	sand.u32 $0x1FFFFFF0, s14;
	s29 =	spop (v2sf)  }
0x8b: {  	s14 =	sadd.s32 s2, s14;
	s29 =	sand.u32 $0x1FFFFFF0, s29;
	s30 =	spop (v2sf);
	(v2sf) =	vpush v0, $0xA  }
0x8c: {  	[tilespmem:s1], [sflag:$0x1] =	stream.linear.gather [hbm4b:s14+s3], $0x80, $0x38;
	[tilespmem:$0x14280] =	vst v63  }
0x8d: {  	s1 =	sadd.s32 s2, s29;
	s14 =	sadd.s32 $0x10400, s16;
	s29 =	spop (v2sf);
	(v2sf) =	vpush v0, $0xB  }
0x8e: {  	[tilespmem:s0], [sflag:$0x1] =	stream.linear.gather [hbm4b:s1+s3], $0x80, $0x38;
	[tilespmem:$0x14280] =	vst v63  }
0x8f: {  	s0 =	sand.u32 $0x1FFFFFF0, s30;
	s1 =	sand.u32 $0x1FFFFFF0, s29;
	s29 =	spop (v2sf);
	(v2sf) =	vpush v0, $0xC  }
0x90: {  	s0 =	sadd.s32 s2, s0;
	s29 =	sand.u32 $0x1FFFFFF0, s29;
	s30 =	spop (v2sf)  }
0x91: {  	[tilespmem:s13], [sflag:$0x1] =	stream.linear.gather [hbm4b:s0+s3], $0x80, $0x38;
	(v2sf) =	vpush v0, $0xD;
	[tilespmem:$0x14280] =	vst v63  }
0x92: {  	s0 =	sadd.s32 s2, s29;
	s13 =	sand.u32 $0x1FFFFFF0, s30;
	s29 =	spop (v2sf)  }
0x93: {  	[tilespmem:s14], [sflag:$0x1] =	stream.linear.gather [hbm4b:s0+s3], $0x80, $0x38;
	(v2sf) =	vpush v0, $0xE;
	[tilespmem:$0x14280] =	vst v63  }
0x94: {  	s0 =	sadd.s32 s2, s1;
	s1 =	sand.u32 $0x1FFFFFF0, s29;
	s14 =	spop (v2sf)  }
0x95: {  	[tilespmem:s5], [sflag:$0x1] =	stream.linear.gather [hbm4b:s0+s3], $0x80, $0x38;
	(v2sf) =	vpush v0, $0xF;
	[tilespmem:$0x14280] =	vst v63  }
0x96: {  	s0 =	sadd.s32 s2, s13;
	s5 =	sand.u32 $0x1FFFFFF0, s14;
	s13 =	spop (v2sf)  }
0x97: {  	[tilespmem:s28], [sflag:$0x1] =	stream.linear.gather [hbm4b:s0+s3], $0x80, $0x38;
	[tilespmem:$0x14280] =	vst v63  }
0x98: {  	s0 =	sadd.s32 s2, s1;
	s1 =	sand.u32 $0x1FFFFFF0, s13;
	s13 =	spop (v2sf)  }
0x99: {  	[tilespmem:s11], [sflag:$0x1] =	stream.linear.gather [hbm4b:s0+s3], $0x80, $0x38;
	[tilespmem:$0x14280] =	vst v63  }
0x9a: {  	s0 =	sadd.s32 s2, s5;
	s5 =	sand.u32 $0x1FFFFFF0, s13;
	s11 =	spop (v2sf)  }
0x9b: {  	[tilespmem:s25], [sflag:$0x1] =	stream.linear.gather [hbm4b:s0+s3], $0x80, $0x38;
	[tilespmem:$0x14280] =	vst v63  }
0x9c: {  	s0 =	sadd.s32 s2, s1;
	s1 =	sand.u32 $0x1FFFFFF0, s11;
	s11 =	spop (v2sf)  }
0x9d: {  	[tilespmem:s24], [sflag:$0x1] =	stream.linear.gather [hbm4b:s0+s3], $0x80, $0x38;
	[tilespmem:$0x14280] =	vst v63  }
0x9e: {  	s0 =	sadd.s32 s2, s5;
	s5 =	sand.u32 $0x1FFFFFF0, s11;
	s11 =	spop (v2sf)  }
0x9f: {  	[tilespmem:s26], [sflag:$0x1] =	stream.linear.gather [hbm4b:s0+s3], $0x80, $0x38;
	[tilespmem:$0x14280] =	vst v63  }
0xa0: {  	s0 =	sadd.s32 s2, s1;
	s1 =	sand.u32 $0x1FFFFFF0, s11;
	s11 =	spop (v2sf)  }
0xa1: {  	[tilespmem:s23], [sflag:$0x1] =	stream.linear.gather [hbm4b:s0+s3], $0x80, $0x38;
	[tilespmem:$0x14280] =	vst v63  }
0xa2: {  	s0 =	sadd.s32 s2, s5;
	s5 =	sand.u32 $0x1FFFFFF0, s11;
	s11 =	spop (v2sf)  }
0xa3: {  	[tilespmem:s22], [sflag:$0x1] =	stream.linear.gather [hbm4b:s0+s3], $0x80, $0x38;
	[tilespmem:$0x14280] =	vst v63  }
0xa4: {  	s0 =	sadd.s32 s2, s1;
	s1 =	sand.u32 $0x1FFFFFF0, s11;
	s11 =	spop (v2sf)  }
0xa5: {  	[tilespmem:s20], [sflag:$0x1] =	stream.linear.gather [hbm4b:s0+s3], $0x80, $0x38;
	[tilespmem:$0x14280] =	vst v63  }
0xa6: {  	s0 =	sadd.s32 s2, s5;
	s5 =	sand.u32 $0x1FFFFFF0, s11  }
0xa7: {  	[tilespmem:s21], [sflag:$0x1] =	stream.linear.gather [hbm4b:s0+s3], $0x80, $0x38;
	[tilespmem:$0x14280] =	vst v63  }
0xa8: {  	s1 =	sadd.s32 s2, s1;
	s0 =	sadd.s32 $0x10980, s16  }
0xa9: {  	[tilespmem:s0], [sflag:$0x1] =	stream.linear.gather [hbm4b:s1+s3], $0x80, $0x38;
	[tilespmem:$0x14280] =	vst v63  }
0xaa: {  	s0 =	sadd.s32 $0x10A00, s16;
	s1 =	sadd.s32 s2, s5  }
0xab: {  	[tilespmem:s0], [sflag:$0x1] =	stream.linear.gather [hbm4b:s1+s3], $0x80, $0x38;
	[tilespmem:$0x14280] =	vst v63  }
0xac: {  	v0 =	vld [tilespmem:s17+$0x0];
	_ =	sdelay $0x4  }
0xad: {  	v0 =	vshll.u32 v0, $0x4  }
0xae: {  	(v2sf) =	vpush v0, $0x0  }
0xaf: {  	(v2sf) =	vpush v0, $0x1  }
0xb0: {  	(v2sf) =	vpush v0, $0x2;
	_ =	sdelay $0x1  }
0xb1: {  	(v2sf) =	vpush v0, $0x4  }
.Ltmp1:
0xb2: {  	(pc) =	sbr.rel @p0 .LBB2_4-.Ltmp1, $3  }
0xb3: {  	(v2sf) =	vpush v0, $0x3  }
0xb4: {  	(v2sf) =	vpush v0, $0x5;
	_ =	sdelay $0x1  }
0xb5: {  	s16 =	sshra.s32 s19, $0x2;
	(v2sf) =	vpush v0, $0x6  }
0xb6: {  	_ =	sdelay $0x5  }
0xb7: {  	s0 =	spop (v2sf)  }
0xb8: {  	s1 =	spop (v2sf)  }
0xb9: {  	s17 =	spop (v2sf)  }
0xba: {  	s20 =	spop (v2sf);
	(v2sf) =	vpush v0, $0x7  }
0xbb: {  	s0 =	sand.u32 $0x1FFFFFF0, s0  }
0xbc: {  	s5 =	sadd.s32 $0x10280, s16;
	s0 =	sadd.s32 s2, s0  }
0xbd: {  	[tilespmem:s5], [sflag:$0x1] =	stream.linear.gather [hbm4b:s0+s3], $0x80, $0x38;
	[tilespmem:$0x14280] =	vst v63  }
0xbe: {  	s1 =	sand.u32 $0x1FFFFFF0, s1;
	s21 =	spop (v2sf);
	(v2sf) =	vpush v0, $0x8  }
0xbf: {  	s14 =	sadd.s32 $0x10300, s16;
	s1 =	sadd.s32 s2, s1  }
0xc0: {  	[tilespmem:s14], [sflag:$0x1] =	stream.linear.gather [hbm4b:s1+s3], $0x80, $0x38;
	[tilespmem:$0x14280] =	vst v63  }
0xc1: {  	s18 =	sand.u32 $0x1FFFFFF0, s17;
	s25 =	spop (v2sf);
	(v2sf) =	vpush v0, $0x9  }
0xc2: {  	s19 =	sadd.s32 $0x10380, s16;
	s0 =	sadd.s32 s2, s18  }
0xc3: {  	[tilespmem:s19], [sflag:$0x1] =	stream.linear.gather [hbm4b:s0+s3], $0x80, $0x38;
	[tilespmem:$0x14280] =	vst v63  }
0xc4: {  	s0 =	sand.u32 $0x1FFFFFF0, s21;
	s28 =	spop (v2sf);
	(v2sf) =	vpush v0, $0xA  }
0xc5: {  	s22 =	sadd.s32 $0x10400, s16;
	s23 =	sand.u32 $0x1FFFFFF0, s20;
	s0 =	sadd.s32 s2, s0  }
0xc6: {  	[tilespmem:s22], [sflag:$0x1] =	stream.linear.gather [hbm4b:s0+s3], $0x80, $0x38;
	[tilespmem:$0x14280] =	vst v63  }
0xc7: {  	s24 =	sadd.s32 $0x10480, s16;
	s0 =	sadd.s32 s2, s23  }
0xc8: {  	[tilespmem:s24], [sflag:$0x1] =	stream.linear.gather [hbm4b:s0+s3], $0x80, $0x38;
	[tilespmem:$0x14280] =	vst v63  }
0xc9: {  	s0 =	sand.u32 $0x1FFFFFF0, s25;
	s30 =	spop (v2sf);
	(v2sf) =	vpush v0, $0xB  }
0xca: {  	s26 =	sadd.s32 $0x10500, s16;
	s0 =	sadd.s32 s2, s0  }
0xcb: {  	[tilespmem:s26], [sflag:$0x1] =	stream.linear.gather [hbm4b:s0+s3], $0x80, $0x38;
	[tilespmem:$0x14280] =	vst v63  }
0xcc: {  	s0 =	sand.u32 $0x1FFFFFF0, s28  }
0xcd: {  	s29 =	sadd.s32 $0x10580, s16;
	s0 =	sadd.s32 s2, s0;
	s5 =	spop (v2sf);
	(v2sf) =	vpush v0, $0xC  }
0xce: {  	[tilespmem:s29], [sflag:$0x1] =	stream.linear.gather [hbm4b:s0+s3], $0x80, $0x38;
	[tilespmem:$0x14280] =	vst v63  }
0xcf: {  	s0 =	sand.u32 $0x1FFFFFF0, s30  }
0xd0: {  	s31 =	sadd.s32 $0x10600, s16;
	s0 =	sadd.s32 s2, s0;
	s13 =	spop (v2sf);
	(v2sf) =	vpush v0, $0xD  }
0xd1: {  	[tilespmem:s31], [sflag:$0x1] =	stream.linear.gather [hbm4b:s0+s3], $0x80, $0x38;
	[tilespmem:$0x14280] =	vst v63  }
0xd2: {  	s0 =	sand.u32 $0x1FFFFFF0, s5  }
0xd3: {  	s11 =	sadd.s32 $0x10680, s16;
	s0 =	sadd.s32 s2, s0;
	s17 =	spop (v2sf);
	(v2sf) =	vpush v0, $0xE  }
0xd4: {  	[tilespmem:s11], [sflag:$0x1] =	stream.linear.gather [hbm4b:s0+s3], $0x80, $0x38;
	[tilespmem:$0x14280] =	vst v63  }
0xd5: {  	s0 =	sand.u32 $0x1FFFFFF0, s13  }
0xd6: {  	s14 =	sadd.s32 $0x10700, s16;
	s0 =	sadd.s32 s2, s0  }
0xd7: {  	[tilespmem:s14], [sflag:$0x1] =	stream.linear.gather [hbm4b:s0+s3], $0x80, $0x38;
	[tilespmem:$0x14280] =	vst v63  }
0xd8: {  	s0 =	sand.u32 $0x1FFFFFF0, s17;
	s19 =	spop (v2sf);
	(v2sf) =	vpush v0, $0xF  }
0xd9: {  	s18 =	sadd.s32 $0x10780, s16;
	s0 =	sadd.s32 s2, s0  }
0xda: {  	[tilespmem:s18], [sflag:$0x1] =	stream.linear.gather [hbm4b:s0+s3], $0x80, $0x38;
	[tilespmem:$0x14280] =	vst v63  }
0xdb: {  	s0 =	sand.u32 $0x1FFFFFF0, s19  }
0xdc: {  	s20 =	sadd.s32 $0x10800, s16;
	s0 =	sadd.s32 s2, s0;
	s21 =	spop (v2sf)  }
0xdd: {  	[tilespmem:s20], [sflag:$0x1] =	stream.linear.gather [hbm4b:s0+s3], $0x80, $0x38;
	[tilespmem:$0x14280] =	vst v63  }
0xde: {  	s0 =	sand.u32 $0x1FFFFFF0, s21  }
0xdf: {  	s22 =	sadd.s32 $0x10880, s16;
	s23 =	spop (v2sf);
	s0 =	sadd.s32 s2, s0  }
0xe0: {  	[tilespmem:s22], [sflag:$0x1] =	stream.linear.gather [hbm4b:s0+s3], $0x80, $0x38;
	[tilespmem:$0x14280] =	vst v63  }
0xe1: {  	s0 =	sand.u32 $0x1FFFFFF0, s23  }
0xe2: {  	s24 =	sadd.s32 $0x10900, s16;
	s25 =	spop (v2sf);
	s0 =	sadd.s32 s2, s0  }
0xe3: {  	[tilespmem:s24], [sflag:$0x1] =	stream.linear.gather [hbm4b:s0+s3], $0x80, $0x38;
	[tilespmem:$0x14280] =	vst v63  }
0xe4: {  	s0 =	sand.u32 $0x1FFFFFF0, s25  }
0xe5: {  	s26 =	sadd.s32 $0x10980, s16;
	s0 =	sadd.s32 s2, s0  }
0xe6: {  	[tilespmem:s26], [sflag:$0x1] =	stream.linear.gather [hbm4b:s0+s3], $0x80, $0x38;
	[tilespmem:$0x14280] =	vst v63  }
0xe7: {  	s28 =	spop (v2sf)  }
0xe8: {  	s0 =	sand.u32 $0x1FFFFFF0, s28  }
0xe9: {  	s29 =	sadd.s32 $0x10A00, s16;
	s0 =	sadd.s32 s2, s0  }
0xea: {  	[tilespmem:s29], [sflag:$0x1] =	stream.linear.gather [hbm4b:s0+s3], $0x80, $0x38;
	[tilespmem:$0x14280] =	vst v63  }
0xeb: {  	_ =	swait.ge [sflag:s12], $0x10000  }
0xec: {  	[sflag:s12] =	ssyncset.done $0x0  }
0xed: {  	[sflag:s12] =	ssyncadd.s32 $0xFFFF0000  }
0xee: {  	_ =	swait.ge [sflag:s12], $0x4000  }
0xef: {  	[sflag:s12] =	ssyncset.done $0x0  }
0xf0: {  	s30 =	simm.s32 $0x280;
	[sflag:s12] =	ssyncadd.s32 $0xFFFFC000  }
0xf1: {  	[hbm4b:s7+s3] =	stream.linear.scatter [tilespmem:s30], [sflag:$0x2], $0x10000, $0x38;
	[tilespmem:$0x14280] =	vst v63  }
0xf2: {  	s15 =	sadd.s32 $0x1, s15;
	_ =	swait.ge [sflag:s10], $0x10000  }
0xf3: {  	p0 =	sne.s32 s15, s9;
	[sflag:s10] =	ssyncset.done $0x0  }
.Ltmp2:
0xf4: {  	s31 =	simm.s32 $0x10280;
	[sflag:s10] =	ssyncadd.s32 $0xFFFF0000;
	(pc) =	sbr.rel @p0 .LBB2_1-.Ltmp2, $4  }
0xf5: {  	[hbm4b:s8+s3] =	stream.linear.scatter [tilespmem:s31], [sflag:$0x2], $0x4000, $0x38;
	[tilespmem:$0x14280] =	vst v63  }
0xf6: {  	_ =	swait.ge [sflag:s10], $0x4000  }
0xf7: {  	[sflag:s10] =	ssyncset.done $0x0  }
0xf8: {  	[sflag:s10] =	ssyncadd.s32 $0xFFFFC000  }
0xf9: {  	_ =	sfence.sel $0x180000  }
0xfa: {  	[bflag:$0x0] =	sbarrier.arrive $0xFFFF  }
0xfb: {  	_ =	strace $0x90000047  }
0xfc: {  	s0 =	stileid.u32;
	[bflag:$0x2] =	sbarrier.arrive $0xFFFF  }
0xfd: {  	p0 =	sne.s32 s0, $0x0;
	s0 =	rddreg [dreg:$0x4]  }
0xfe: {  	s0 =	sadd.s32 @!p0 $0x100000, s0  }
0xff: {  	[sflag:s0] =	ssyncadd.tile.s32 @!p0 $0x1;
	_ =	shalt  }
.Lfunc_end2:
_tile_overlayer_lowered:
.L_overlay_start_2:
0x100: {  	(tag) =	ssettag $0x2  }
0x101: {  	s0 =	rddreg [dreg:$0x0];
	s2 =	stileid.u32  }
0x102: {  	s1 =	rddreg [dreg:$0x1];
	p0 =	sne.s32 s2, $0x0  }
0x103: {  	s3 =	rddreg [dreg:$0x2];
	[bflag:$0x3] =	sbarrier.arrive $0xFFFF;
	s2 =	simm.s32 @!p0 $0x1C02  }
0x104: {  	[timem:s3], [sflag:s2] =	dma.local @!p0 [hbm:s0], s1  }
0x105: {  	s0 =	simm.s32 @!p0 $0x2  }
0x106: {  	_ =	swait.ge @!p0 [sflag:s0], s1  }
0x107: {  	s1 =	ssub.s32 @!p0 $0x0, s1;
	[sflag:s0] =	ssyncset.done @!p0 $0x0  }
0x108: {  	[sflag:s0] =	ssyncadd.s32 @!p0 s1  }
0x109: {  	[bflag:$0x3] =	sbarrier.arrive $0xFFFF  }
0x10a: {  	_ =	shalt  }

</sc_bundles>
